<compile_context>
chip_gen: v7x
topology: tpu7x:2x2x1
jax: 0.10.2.dev20260603
libtpu: 0.0.44.dev20260713+nightly
codegen_flags: <defaults>
</compile_context>

<pallas_src>
import functools

import jax
import jax.numpy as jnp
from jax import lax
from jax.experimental import pallas as pl
from jax.experimental.pallas import tpu as pltpu
from jax.experimental.pallas import tpu_sc as plsc

_NC = 2
_NS = 16
_NW = _NC * _NS


def _sc_gather1(table, indices):
    batch, dim = indices.shape[0], table.shape[1]
    b_per_w = batch // _NW
    mesh = plsc.VectorSubcoreMesh(
        core_axis_name="c", subcore_axis_name="s",
        num_cores=_NC, num_subcores=_NS)
    out_t = jax.ShapeDtypeStruct((batch, dim), jnp.float32)

    @functools.partial(
        pl.kernel,
        out_type=out_t,
        mesh=mesh,
        compiler_params=pltpu.CompilerParams(needs_layout_passes=False),
        scratch_types=[
            pltpu.VMEM((b_per_w,), jnp.int32),
            pltpu.VMEM((b_per_w, dim), jnp.float32),
            pltpu.SemaphoreType.DMA,
            pltpu.SemaphoreType.DMA,
        ],
    )
    def k(tbl_hbm, idx_hbm, out_hbm, idx_v, rows, gsem, ssem):
        wid = lax.axis_index("s") * _NC + lax.axis_index("c")
        base = wid * b_per_w
        sl = pl.ds(base, b_per_w)
        pltpu.sync_copy(idx_hbm.at[sl], idx_v)
        lanes = lax.broadcasted_iota(jnp.int32, (16,), 0)

        @pl.loop(0, b_per_w)
        def _(j):
            v16 = (j // 16) * 16
            vec = idx_v[pl.ds(v16, 16)]
            i = jnp.sum(jnp.where(lanes == (j - v16), vec, jnp.int32(0)))
            pltpu.async_copy(tbl_hbm.at[i], rows.at[j], gsem)

        pltpu.make_async_copy(tbl_hbm.at[pl.ds(0, b_per_w)], rows, gsem).wait()
        pltpu.async_copy(rows, out_hbm.at[sl], ssem).wait()

    return k(table, indices)


def _sc_gather3(user_indices, item_indices, emb_user, emb_item, user_reprs):
    uix = user_indices.astype(jnp.int32)
    iix = item_indices.astype(jnp.int32)
    ue = _sc_gather1(emb_user, uix)
    ur = _sc_gather1(user_reprs, uix)
    ie = _sc_gather1(emb_item, iix)
    return ue, ur, ie


def _tc_body(ue_ref, ur_ref, ie_ref, c_ref, w_ref, b_ref, o_ref,
             *, num_clusters):
    rep = ur_ref[...]
    c = c_ref[...]
    cp = c.shape[0]
    scores = -2.0 * lax.dot_general(rep, c, (((1,), (1,)), ((), ())),
                                    preferred_element_type=jnp.float32)
    cn = jnp.sum(c * c, axis=1)
    pad = jnp.where(lax.broadcasted_iota(jnp.int32, (cp,), 0) < num_clusters,
                    0.0, jnp.float32(1e30))
    scores = scores + (cn + pad)[None, :]
    nearest = jnp.argmin(scores, axis=1)
    onehot = (lax.broadcasted_iota(jnp.int32, scores.shape, 1)
              == nearest[:, None]).astype(jnp.float32)
    proto = lax.dot_general(onehot, c, (((1,), (0,)), ((), ())),
                            preferred_element_type=jnp.float32)
    prod = ue_ref[...] * proto * ie_ref[...]
    logit = jnp.sum(prod * w_ref[...], axis=1, keepdims=True) + b_ref[0]
    o_ref[...] = jax.nn.sigmoid(logit)


def _tc_tail(ue, ur, ie, centers, W, b, *, num_clusters, interpret=False):
    batch, dim = ue.shape
    cp = 128
    c_pad = jnp.zeros((cp, dim), centers.dtype).at[:num_clusters].set(centers)
    blk = 2048
    grid = (batch // blk,)
    row_spec = pl.BlockSpec((blk, dim), lambda i: (i, 0))
    return pl.pallas_call(
        functools.partial(_tc_body, num_clusters=num_clusters),
        grid=grid,
        in_specs=[
            row_spec, row_spec, row_spec,
            pl.BlockSpec((cp, dim), lambda i: (0, 0)),
            pl.BlockSpec((1, dim), lambda i: (0, 0)),
            pl.BlockSpec(memory_space=pltpu.SMEM),
        ],
        out_specs=pl.BlockSpec((blk, 1), lambda i: (i, 0)),
        out_shape=jax.ShapeDtypeStruct((batch, 1), jnp.float32),
        interpret=interpret,
    )(ue, ur, ie, c_pad, W, b)


def kernel(user_indices, item_indices, emb_user, emb_item, user_reprs,
           cluster_centers, W, b):
    num_clusters = cluster_centers.shape[0]
    ue, ur, ie = _sc_gather3(user_indices, item_indices,
                             emb_user, emb_item, user_reprs)
    return _tc_tail(ue, ur, ie, cluster_centers, W, b,
                    num_clusters=num_clusters)

# --- scband reference (transcript-rebuilt; emitter-appended) ---
"""Pipeline reference for scband-gmf-12575664243315 (READ-ONLY COPY).

The authoritative reference and input builder live on the scoring server;
editing this copy changes nothing except your own understanding.
"""

import jax, jax.numpy as jnp
import numpy as np

NUM_USERS = 1000000
NUM_ITEMS = 1000000
LATENT_DIM = 32
NUM_CLUSTERS = 100
BATCH = 16384


def setup_inputs(seed: int = 0) -> dict:
    key = jax.random.key(seed)
    ks = jax.random.split(key, 8)
    user_indices = jax.random.randint(ks[0], (BATCH,), 0, NUM_USERS, dtype=jnp.int64 if jax.config.jax_enable_x64 else jnp.int32)
    item_indices = jax.random.randint(ks[1], (BATCH,), 0, NUM_ITEMS, dtype=jnp.int64 if jax.config.jax_enable_x64 else jnp.int32)
    emb_user = jax.random.normal(ks[2], (NUM_USERS, LATENT_DIM), dtype=jnp.float32) * 0.02
    emb_item = jax.random.normal(ks[3], (NUM_ITEMS, LATENT_DIM), dtype=jnp.float32) * 0.02
    # user representations used by prototype_embedding (embeddings_with_userid.txt analogue)
    user_reprs = jax.random.normal(ks[4], (NUM_USERS, LATENT_DIM), dtype=jnp.float32)
    # cluster centers (cluster_centers.txt analogue)
    cluster_centers = jax.random.normal(ks[5], (NUM_CLUSTERS, LATENT_DIM), dtype=jnp.float32)
    # affine_output Linear(latent_dim -> 1)
    W = jax.random.normal(ks[6], (1, LATENT_DIM), dtype=jnp.float32) * 0.1
    b = jnp.zeros((1,), dtype=jnp.float32)
    return {
        "user_indices": user_indices,
        "item_indices": item_indices,
        "emb_user": emb_user,
        "emb_item": emb_item,
        "user_reprs": user_reprs,
        "cluster_centers": cluster_centers,
        "W": W,
        "b": b,
    }


def _prototype_embedding(user_indices, user_reprs, cluster_centers):
    # Faithful translation of prototype_embedding: for each user, find the
    # nearest cluster center (L2) to its stored representation and return it.
    reprs = jnp.take(user_reprs, user_indices, axis=0)  # [B, d]
    d2 = jnp.sum((reprs[:, None, :] - cluster_centers[None, :, :]) ** 2, axis=-1)  # [B, C]
    nearest = jnp.argmin(d2, axis=1)  # [B]
    return jnp.take(cluster_centers, nearest, axis=0)  # [B, d]


def reference(user_indices, item_indices, emb_user, emb_item, user_reprs, cluster_centers, W, b):
    # GMF.forward with market_aware=False (trainable user/item embeddings)
    user_embedding = jnp.take(emb_user, user_indices, axis=0)  # embedding_user(user_indices)
    prototype_emb = _prototype_embedding(user_indices, user_reprs, cluster_centers)
    user_embedding = user_embedding * prototype_emb
    item_embedding = jnp.take(emb_item, item_indices, axis=0)  # embedding_item(item_indices)
    # market_aware=False -> transform_market_aware is identity on item_embedding
    element_product = (user_embedding * item_embedding).astype(jnp.float32)
    logits = element_product @ W.T + b  # affine_output
    rating = jax.nn.sigmoid(logits)     # logistic
    return rating

if __name__ == "__main__":
    import jax
    _d = setup_inputs()
    print(jax.jit(kernel)(*tuple(_d.values())))

</pallas_src>

<mosaic_0001>
#map = affine_map<(d0, d1) -> (0, 0)>
#map1 = affine_map<(d0, d1) -> (0)>
module attributes {stable_mosaic.version = 14 : i64} {
  func.func @k(%arg0: i32, %arg1: i32, %arg2: memref<1000000x32xf32, #tpu.memory_space<hbm>>, %arg3: memref<16384xi32, #tpu.memory_space<hbm>>, %arg4: memref<16384x32xf32, #tpu.memory_space<hbm>>, %arg5: memref<512xi32, #tpu.memory_space<vmem>>, %arg6: memref<512x32xf32, #tpu.memory_space<vmem>>, %arg7: memref<!tpu.dma_semaphore, #tpu.memory_space<semaphore_mem>>, %arg8: memref<!tpu.dma_semaphore, #tpu.memory_space<semaphore_mem>>) attributes {dimension_semantics = [#tpu.dimension_semantics<core_parallel>, #tpu.dimension_semantics<subcore_parallel>], iteration_bounds = array<i64: 2, 16>, scalar_prefetch = 0 : i64, scratch_operands = 4 : i64, tpu.core_type = #tpu.core_type<sc_vector_subcore>, window_params = [{transform_indices = #map}, {transform_indices = #map1}, {transform_indices = #map}]} {
    %mul3A = arith.constant 2 : i32
    %mul3A_0 = arith.muli %arg1, %mul3A : i32
    %add3A = arith.addi %mul3A_0, %arg0 : i32
    %mul3A_1 = arith.constant 512 : i32
    %mul3A_2 = arith.muli %add3A, %mul3A_1 : i32
    "tpu.region"() ({
      %run_scoped3A = tpu.sem_alloc : memref<!tpu.dma_semaphore, #tpu.memory_space<semaphore_mem>>
      %dma_start3A_19 = tpu.memref_slice %arg3[%mul3A_2] : memref<16384xi32, #tpu.memory_space<hbm>> -> memref<512xi32, #tpu.memory_space<hbm>>
      %dma_start3A_20 = tpu.memref_slice %arg3[%mul3A_2] : memref<16384xi32, #tpu.memory_space<hbm>> -> memref<512xi32, #tpu.memory_space<hbm>>
      tpu.enqueue_dma source(%dma_start3A_20 : memref<512xi32, #tpu.memory_space<hbm>>) target(%arg5 : memref<512xi32, #tpu.memory_space<vmem>>) target_semaphore(%run_scoped3A : memref<!tpu.dma_semaphore, #tpu.memory_space<semaphore_mem>>)
      %dma_wait3A_21 = tpu.memref_slice %arg3[%mul3A_2] : memref<16384xi32, #tpu.memory_space<hbm>> -> memref<512xi32, #tpu.memory_space<hbm>>
      %dma_wait3A_22 = tpu.memref_slice %arg3[%mul3A_2] : memref<16384xi32, #tpu.memory_space<hbm>> -> memref<512xi32, #tpu.memory_space<hbm>>
      tpu.wait_dma2 semaphore(%run_scoped3A : memref<!tpu.dma_semaphore, #tpu.memory_space<semaphore_mem>>) src(%dma_wait3A_22 : memref<512xi32, #tpu.memory_space<hbm>>) dst(%arg5 : memref<512xi32, #tpu.memory_space<vmem>>)
      tpu.yield
    }) : () -> ()
    %iota3A = tpu.iota {dimensions = array<i32: 0>} : vector<16xi32>
    %scan3A = arith.constant 0 : i32
    %scan3A_3 = arith.constant 512 : i32
    %scan3A_4 = arith.addi %scan3A, %scan3A_3 : i32
    %scan3A_5 = arith.constant 1 : i32
    scf.for %scan3A_19 = %scan3A to %scan3A_4 step %scan3A_5  : i32 {
      %mul3A_20 = arith.constant 1 : i32
      %mul3A_21 = arith.muli %scan3A_19, %mul3A_20 : i32
      %add3A_22 = arith.constant 0 : i32
      %add3A_23 = arith.addi %add3A_22, %mul3A_21 : i32
      %jit3A = arith.constant 16 : i32
      %div3A = arith.divsi %add3A_23, %jit3A : i32
      %sign3A = arith.constant 0 : i32
      %sign3A_24 = arith.cmpi sgt, %add3A_23, %sign3A : i32
      %sign3A_25 = arith.extui %sign3A_24 : i1 to i32
      %sign3A_26 = arith.constant 0 : i32
      %sign3A_27 = arith.cmpi slt, %add3A_23, %sign3A_26 : i32
      %sign3A_28 = arith.extui %sign3A_27 : i1 to i32
      %sign3A_29 = arith.subi %sign3A_25, %sign3A_28 : i32
      %sign3A_30 = arith.constant 0 : i32
      %sign3A_31 = arith.cmpi sgt, %jit3A, %sign3A_30 : i32
      %sign3A_32 = arith.extui %sign3A_31 : i1 to i32
      %sign3A_33 = arith.constant 0 : i32
      %sign3A_34 = arith.cmpi slt, %jit3A, %sign3A_33 : i32
      %sign3A_35 = arith.extui %sign3A_34 : i1 to i32
      %sign3A_36 = arith.subi %sign3A_32, %sign3A_35 : i32
      %ne3A = arith.cmpi ne, %sign3A_29, %sign3A_36 : i32
      %rem3A = arith.remsi %add3A_23, %jit3A : i32
      %ne3A_37 = arith.constant 0 : i32
      %ne3A_38 = arith.cmpi ne, %rem3A, %ne3A_37 : i32
      %and3A = arith.andi %ne3A, %ne3A_38 : i1
      %sub3A = arith.constant 1 : i32
      %sub3A_39 = arith.subi %div3A, %sub3A : i32
      %select_n3A = arith.select %and3A, %sub3A_39, %div3A : i32
      %mul3A_40 = arith.constant 16 : i32
      %mul3A_41 = arith.muli %select_n3A, %mul3A_40 : i32
      %get3A = arith.index_cast %mul3A_41 : i32 to index
      %get3A_42 = tpu.vector_load %arg5[%get3A] {strides = array<i32>} : memref<512xi32, #tpu.memory_space<vmem>>, vector<16xi32>,
      %sub3A_43 = arith.subi %add3A_23, %mul3A_41 : i32
      %eq3A = vector.broadcast %sub3A_43 : i32 to vector<16xi32>
      %eq3A_44 = arith.cmpi eq, %iota3A, %eq3A : vector<16xi32>
      %jit3A_45 = arith.constant 0 : i32
      %broadcast_in_dim3A = vector.broadcast %jit3A_45 : i32 to vector<16xi32>
      %select_n3A_46 = arith.select %eq3A_44, %get3A_42, %broadcast_in_dim3A : vector<16xi1>, vector<16xi32>
      %reduce_sum3A = arith.constant true
      %reduce_sum3A_47 = vector.broadcast %reduce_sum3A : i1 to vector<16xi1>
      %reduce_sum3A_48 = tpu.scan <sum>, %select_n3A_46 masked %reduce_sum3A_47 : vector<16xi32>, vector<16xi1> -> vector<16xi32>
      %reduce_sum3A_49 = vector.extract %reduce_sum3A_48[15] : i32 from vector<16xi32>
      %dma_start3A_50 = arith.constant 0 : i32
      %dma_start3A_51 = tpu.memref_slice %arg6[%add3A_23, %dma_start3A_50] : memref<512x32xf32, #tpu.memory_space<vmem>> -> memref<1x32xf32, #tpu.memory_space<vmem>>
      %dma_start3A_52 = tpu.memref_squeeze %dma_start3A_51 : memref<1x32xf32, #tpu.memory_space<vmem>> -> memref<32xf32, #tpu.memory_space<vmem>>
      %dma_start3A_53 = arith.constant 0 : i32
      %dma_start3A_54 = tpu.memref_slice %arg2[%reduce_sum3A_49, %dma_start3A_53] : memref<1000000x32xf32, #tpu.memory_space<hbm>> -> memref<1x32xf32, #tpu.memory_space<hbm>>
      %dma_start3A_55 = tpu.memref_squeeze %dma_start3A_54 : memref<1x32xf32, #tpu.memory_space<hbm>> -> memref<32xf32, #tpu.memory_space<hbm>>
      %dma_start3A_56 = arith.constant 0 : i32
      %dma_start3A_57 = tpu.memref_slice %arg6[%add3A_23, %dma_start3A_56] : memref<512x32xf32, #tpu.memory_space<vmem>> -> memref<1x32xf32, #tpu.memory_space<vmem>>
      %dma_start3A_58 = tpu.memref_squeeze %dma_start3A_57 : memref<1x32xf32, #tpu.memory_space<vmem>> -> memref<32xf32, #tpu.memory_space<vmem>>
      %dma_start3A_59 = arith.constant 0 : i32
      %dma_start3A_60 = tpu.memref_slice %arg2[%reduce_sum3A_49, %dma_start3A_59] : memref<1000000x32xf32, #tpu.memory_space<hbm>> -> memref<1x32xf32, #tpu.memory_space<hbm>>
      %dma_start3A_61 = tpu.memref_squeeze %dma_start3A_60 : memref<1x32xf32, #tpu.memory_space<hbm>> -> memref<32xf32, #tpu.memory_space<hbm>>
      tpu.enqueue_dma source(%dma_start3A_61 : memref<32xf32, #tpu.memory_space<hbm>>) target(%dma_start3A_58 : memref<32xf32, #tpu.memory_space<vmem>>) target_semaphore(%arg7 : memref<!tpu.dma_semaphore, #tpu.memory_space<semaphore_mem>>)
    }
    %scan3A_6 = arith.constant 512 : i32
    %dma_wait3A = arith.constant 0 : i32
    %dma_wait3A_7 = arith.constant 0 : i32
    %dma_wait3A_8 = tpu.memref_slice %arg2[%dma_wait3A, %dma_wait3A_7] : memref<1000000x32xf32, #tpu.memory_space<hbm>> -> memref<512x32xf32, #tpu.memory_space<hbm>>
    %dma_wait3A_9 = arith.constant 0 : i32
    %dma_wait3A_10 = arith.constant 0 : i32
    %dma_wait3A_11 = tpu.memref_slice %arg2[%dma_wait3A_9, %dma_wait3A_10] : memref<1000000x32xf32, #tpu.memory_space<hbm>> -> memref<512x32xf32, #tpu.memory_space<hbm>>
    tpu.wait_dma2 semaphore(%arg7 : memref<!tpu.dma_semaphore, #tpu.memory_space<semaphore_mem>>) src(%dma_wait3A_11 : memref<512x32xf32, #tpu.memory_space<hbm>>) dst(%arg6 : memref<512x32xf32, #tpu.memory_space<vmem>>)
    %dma_start3A = arith.constant 0 : i32
    %dma_start3A_12 = tpu.memref_slice %arg4[%mul3A_2, %dma_start3A] : memref<16384x32xf32, #tpu.memory_space<hbm>> -> memref<512x32xf32, #tpu.memory_space<hbm>>
    %dma_start3A_13 = arith.constant 0 : i32
    %dma_start3A_14 = tpu.memref_slice %arg4[%mul3A_2, %dma_start3A_13] : memref<16384x32xf32, #tpu.memory_space<hbm>> -> memref<512x32xf32, #tpu.memory_space<hbm>>
    tpu.enqueue_dma source(%arg6 : memref<512x32xf32, #tpu.memory_space<vmem>>) target(%dma_start3A_14 : memref<512x32xf32, #tpu.memory_space<hbm>>) target_semaphore(%arg8 : memref<!tpu.dma_semaphore, #tpu.memory_space<semaphore_mem>>)
    %dma_wait3A_15 = arith.constant 0 : i32
    %dma_wait3A_16 = tpu.memref_slice %arg4[%mul3A_2, %dma_wait3A_15] : memref<16384x32xf32, #tpu.memory_space<hbm>> -> memref<512x32xf32, #tpu.memory_space<hbm>>
    %dma_wait3A_17 = arith.constant 0 : i32
    %dma_wait3A_18 = tpu.memref_slice %arg4[%mul3A_2, %dma_wait3A_17] : memref<16384x32xf32, #tpu.memory_space<hbm>> -> memref<512x32xf32, #tpu.memory_space<hbm>>
    tpu.wait_dma2 semaphore(%arg8 : memref<!tpu.dma_semaphore, #tpu.memory_space<semaphore_mem>>) src(%arg6 : memref<512x32xf32, #tpu.memory_space<vmem>>) dst(%dma_wait3A_18 : memref<512x32xf32, #tpu.memory_space<hbm>>)
    return
  }
}

#map = affine_map<(d0, d1) -> (0, 0)>
#map1 = affine_map<(d0, d1) -> (0)>
module attributes {stable_mosaic.version = 14 : i64} {
  func.func @k(%arg0: i32, %arg1: i32, %arg2: memref<1000000x32xf32, #tpu.memory_space<hbm>>, %arg3: memref<16384xi32, #tpu.memory_space<hbm>>, %arg4: memref<16384x32xf32, #tpu.memory_space<hbm>>, %arg5: memref<512xi32, #tpu.memory_space<vmem>>, %arg6: memref<512x32xf32, #tpu.memory_space<vmem>>, %arg7: memref<!tpu.dma_semaphore, #tpu.memory_space<semaphore_mem>>, %arg8: memref<!tpu.dma_semaphore, #tpu.memory_space<semaphore_mem>>) attributes {dimension_semantics = [#tpu.dimension_semantics<core_parallel>, #tpu.dimension_semantics<subcore_parallel>], iteration_bounds = array<i64: 2, 16>, scalar_prefetch = 0 : i64, scratch_operands = 4 : i64, tpu.core_type = #tpu.core_type<sc_vector_subcore>, window_params = [{transform_indices = #map}, {transform_indices = #map1}, {transform_indices = #map}]} {
    %mul3A = arith.constant 2 : i32
    %mul3A_0 = arith.muli %arg1, %mul3A : i32
    %add3A = arith.addi %mul3A_0, %arg0 : i32
    %mul3A_1 = arith.constant 512 : i32
    %mul3A_2 = arith.muli %add3A, %mul3A_1 : i32
    "tpu.region"() ({
      %run_scoped3A = tpu.sem_alloc : memref<!tpu.dma_semaphore, #tpu.memory_space<semaphore_mem>>
      %dma_start3A_19 = tpu.memref_slice %arg3[%mul3A_2] : memref<16384xi32, #tpu.memory_space<hbm>> -> memref<512xi32, #tpu.memory_space<hbm>>
      %dma_start3A_20 = tpu.memref_slice %arg3[%mul3A_2] : memref<16384xi32, #tpu.memory_space<hbm>> -> memref<512xi32, #tpu.memory_space<hbm>>
      tpu.enqueue_dma source(%dma_start3A_20 : memref<512xi32, #tpu.memory_space<hbm>>) target(%arg5 : memref<512xi32, #tpu.memory_space<vmem>>) target_semaphore(%run_scoped3A : memref<!tpu.dma_semaphore, #tpu.memory_space<semaphore_mem>>)
      %dma_wait3A_21 = tpu.memref_slice %arg3[%mul3A_2] : memref<16384xi32, #tpu.memory_space<hbm>> -> memref<512xi32, #tpu.memory_space<hbm>>
      %dma_wait3A_22 = tpu.memref_slice %arg3[%mul3A_2] : memref<16384xi32, #tpu.memory_space<hbm>> -> memref<512xi32, #tpu.memory_space<hbm>>
      tpu.wait_dma2 semaphore(%run_scoped3A : memref<!tpu.dma_semaphore, #tpu.memory_space<semaphore_mem>>) src(%dma_wait3A_22 : memref<512xi32, #tpu.memory_space<hbm>>) dst(%arg5 : memref<512xi32, #tpu.memory_space<vmem>>)
      tpu.yield
    }) : () -> ()
    %iota3A = tpu.iota {dimensions = array<i32: 0>} : vector<16xi32>
    %scan3A = arith.constant 0 : i32
    %scan3A_3 = arith.constant 512 : i32
    %scan3A_4 = arith.addi %scan3A, %scan3A_3 : i32
    %scan3A_5 = arith.constant 1 : i32
    scf.for %scan3A_19 = %scan3A to %scan3A_4 step %scan3A_5  : i32 {
      %mul3A_20 = arith.constant 1 : i32
      %mul3A_21 = arith.muli %scan3A_19, %mul3A_20 : i32
      %add3A_22 = arith.constant 0 : i32
      %add3A_23 = arith.addi %add3A_22, %mul3A_21 : i32
      %jit3A = arith.constant 16 : i32
      %div3A = arith.divsi %add3A_23, %jit3A : i32
      %sign3A = arith.constant 0 : i32
      %sign3A_24 = arith.cmpi sgt, %add3A_23, %sign3A : i32
      %sign3A_25 = arith.extui %sign3A_24 : i1 to i32
      %sign3A_26 = arith.constant 0 : i32
      %sign3A_27 = arith.cmpi slt, %add3A_23, %sign3A_26 : i32
      %sign3A_28 = arith.extui %sign3A_27 : i1 to i32
      %sign3A_29 = arith.subi %sign3A_25, %sign3A_28 : i32
      %sign3A_30 = arith.constant 0 : i32
      %sign3A_31 = arith.cmpi sgt, %jit3A, %sign3A_30 : i32
      %sign3A_32 = arith.extui %sign3A_31 : i1 to i32
      %sign3A_33 = arith.constant 0 : i32
      %sign3A_34 = arith.cmpi slt, %jit3A, %sign3A_33 : i32
      %sign3A_35 = arith.extui %sign3A_34 : i1 to i32
      %sign3A_36 = arith.subi %sign3A_32, %sign3A_35 : i32
      %ne3A = arith.cmpi ne, %sign3A_29, %sign3A_36 : i32
      %rem3A = arith.remsi %add3A_23, %jit3A : i32
      %ne3A_37 = arith.constant 0 : i32
      %ne3A_38 = arith.cmpi ne, %rem3A, %ne3A_37 : i32
      %and3A = arith.andi %ne3A, %ne3A_38 : i1
      %sub3A = arith.constant 1 : i32
      %sub3A_39 = arith.subi %div3A, %sub3A : i32
      %select_n3A = arith.select %and3A, %sub3A_39, %div3A : i32
      %mul3A_40 = arith.constant 16 : i32
      %mul3A_41 = arith.muli %select_n3A, %mul3A_40 : i32
      %get3A = arith.index_cast %mul3A_41 : i32 to index
      %get3A_42 = tpu.vector_load %arg5[%get3A] {strides = array<i32>} : memref<512xi32, #tpu.memory_space<vmem>>, vector<16xi32>,
      %sub3A_43 = arith.subi %add3A_23, %mul3A_41 : i32
      %eq3A = vector.broadcast %sub3A_43 : i32 to vector<16xi32>
      %eq3A_44 = arith.cmpi eq, %iota3A, %eq3A : vector<16xi32>
      %jit3A_45 = arith.constant 0 : i32
      %broadcast_in_dim3A = vector.broadcast %jit3A_45 : i32 to vector<16xi32>
      %select_n3A_46 = arith.select %eq3A_44, %get3A_42, %broadcast_in_dim3A : vector<16xi1>, vector<16xi32>
      %reduce_sum3A = arith.constant true
      %reduce_sum3A_47 = vector.broadcast %reduce_sum3A : i1 to vector<16xi1>
      %reduce_sum3A_48 = tpu.scan <sum>, %select_n3A_46 masked %reduce_sum3A_47 : vector<16xi32>, vector<16xi1> -> vector<16xi32>
      %reduce_sum3A_49 = vector.extract %reduce_sum3A_48[15] : i32 from vector<16xi32>
      %dma_start3A_50 = arith.constant 0 : i32
      %dma_start3A_51 = tpu.memref_slice %arg6[%add3A_23, %dma_start3A_50] : memref<512x32xf32, #tpu.memory_space<vmem>> -> memref<1x32xf32, #tpu.memory_space<vmem>>
      %dma_start3A_52 = tpu.memref_squeeze %dma_start3A_51 : memref<1x32xf32, #tpu.memory_space<vmem>> -> memref<32xf32, #tpu.memory_space<vmem>>
      %dma_start3A_53 = arith.constant 0 : i32
      %dma_start3A_54 = tpu.memref_slice %arg2[%reduce_sum3A_49, %dma_start3A_53] : memref<1000000x32xf32, #tpu.memory_space<hbm>> -> memref<1x32xf32, #tpu.memory_space<hbm>>
      %dma_start3A_55 = tpu.memref_squeeze %dma_start3A_54 : memref<1x32xf32, #tpu.memory_space<hbm>> -> memref<32xf32, #tpu.memory_space<hbm>>
      %dma_start3A_56 = arith.constant 0 : i32
      %dma_start3A_57 = tpu.memref_slice %arg6[%add3A_23, %dma_start3A_56] : memref<512x32xf32, #tpu.memory_space<vmem>> -> memref<1x32xf32, #tpu.memory_space<vmem>>
      %dma_start3A_58 = tpu.memref_squeeze %dma_start3A_57 : memref<1x32xf32, #tpu.memory_space<vmem>> -> memref<32xf32, #tpu.memory_space<vmem>>
      %dma_start3A_59 = arith.constant 0 : i32
      %dma_start3A_60 = tpu.memref_slice %arg2[%reduce_sum3A_49, %dma_start3A_59] : memref<1000000x32xf32, #tpu.memory_space<hbm>> -> memref<1x32xf32, #tpu.memory_space<hbm>>
      %dma_start3A_61 = tpu.memref_squeeze %dma_start3A_60 : memref<1x32xf32, #tpu.memory_space<hbm>> -> memref<32xf32, #tpu.memory_space<hbm>>
      tpu.enqueue_dma source(%dma_start3A_61 : memref<32xf32, #tpu.memory_space<hbm>>) target(%dma_start3A_58 : memref<32xf32, #tpu.memory_space<vmem>>) target_semaphore(%arg7 : memref<!tpu.dma_semaphore, #tpu.memory_space<semaphore_mem>>)
    }
    %scan3A_6 = arith.constant 512 : i32
    %dma_wait3A = arith.constant 0 : i32
    %dma_wait3A_7 = arith.constant 0 : i32
    %dma_wait3A_8 = tpu.memref_slice %arg2[%dma_wait3A, %dma_wait3A_7] : memref<1000000x32xf32, #tpu.memory_space<hbm>> -> memref<512x32xf32, #tpu.memory_space<hbm>>
    %dma_wait3A_9 = arith.constant 0 : i32
    %dma_wait3A_10 = arith.constant 0 : i32
    %dma_wait3A_11 = tpu.memref_slice %arg2[%dma_wait3A_9, %dma_wait3A_10] : memref<1000000x32xf32, #tpu.memory_space<hbm>> -> memref<512x32xf32, #tpu.memory_space<hbm>>
    tpu.wait_dma2 semaphore(%arg7 : memref<!tpu.dma_semaphore, #tpu.memory_space<semaphore_mem>>) src(%dma_wait3A_11 : memref<512x32xf32, #tpu.memory_space<hbm>>) dst(%arg6 : memref<512x32xf32, #tpu.memory_space<vmem>>)
    %dma_start3A = arith.constant 0 : i32
    %dma_start3A_12 = tpu.memref_slice %arg4[%mul3A_2, %dma_start3A] : memref<16384x32xf32, #tpu.memory_space<hbm>> -> memref<512x32xf32, #tpu.memory_space<hbm>>
    %dma_start3A_13 = arith.constant 0 : i32
    %dma_start3A_14 = tpu.memref_slice %arg4[%mul3A_2, %dma_start3A_13] : memref<16384x32xf32, #tpu.memory_space<hbm>> -> memref<512x32xf32, #tpu.memory_space<hbm>>
    tpu.enqueue_dma source(%arg6 : memref<512x32xf32, #tpu.memory_space<vmem>>) target(%dma_start3A_14 : memref<512x32xf32, #tpu.memory_space<hbm>>) target_semaphore(%arg8 : memref<!tpu.dma_semaphore, #tpu.memory_space<semaphore_mem>>)
    %dma_wait3A_15 = arith.constant 0 : i32
    %dma_wait3A_16 = tpu.memref_slice %arg4[%mul3A_2, %dma_wait3A_15] : memref<16384x32xf32, #tpu.memory_space<hbm>> -> memref<512x32xf32, #tpu.memory_space<hbm>>
    %dma_wait3A_17 = arith.constant 0 : i32
    %dma_wait3A_18 = tpu.memref_slice %arg4[%mul3A_2, %dma_wait3A_17] : memref<16384x32xf32, #tpu.memory_space<hbm>> -> memref<512x32xf32, #tpu.memory_space<hbm>>
    tpu.wait_dma2 semaphore(%arg8 : memref<!tpu.dma_semaphore, #tpu.memory_space<semaphore_mem>>) src(%arg6 : memref<512x32xf32, #tpu.memory_space<vmem>>) dst(%dma_wait3A_18 : memref<512x32xf32, #tpu.memory_space<hbm>>)
    return
  }
}

#map = affine_map<(d0, d1) -> (0, 0)>
#map1 = affine_map<(d0, d1) -> (0)>
module attributes {stable_mosaic.version = 14 : i64} {
  func.func @k(%arg0: i32, %arg1: i32, %arg2: memref<1000000x32xf32, #tpu.memory_space<hbm>>, %arg3: memref<16384xi32, #tpu.memory_space<hbm>>, %arg4: memref<16384x32xf32, #tpu.memory_space<hbm>>, %arg5: memref<512xi32, #tpu.memory_space<vmem>>, %arg6: memref<512x32xf32, #tpu.memory_space<vmem>>, %arg7: memref<!tpu.dma_semaphore, #tpu.memory_space<semaphore_mem>>, %arg8: memref<!tpu.dma_semaphore, #tpu.memory_space<semaphore_mem>>) attributes {dimension_semantics = [#tpu.dimension_semantics<core_parallel>, #tpu.dimension_semantics<subcore_parallel>], iteration_bounds = array<i64: 2, 16>, scalar_prefetch = 0 : i64, scratch_operands = 4 : i64, tpu.core_type = #tpu.core_type<sc_vector_subcore>, window_params = [{transform_indices = #map}, {transform_indices = #map1}, {transform_indices = #map}]} {
    %mul3A = arith.constant 2 : i32
    %mul3A_0 = arith.muli %arg1, %mul3A : i32
    %add3A = arith.addi %mul3A_0, %arg0 : i32
    %mul3A_1 = arith.constant 512 : i32
    %mul3A_2 = arith.muli %add3A, %mul3A_1 : i32
    "tpu.region"() ({
      %run_scoped3A = tpu.sem_alloc : memref<!tpu.dma_semaphore, #tpu.memory_space<semaphore_mem>>
      %dma_start3A_19 = tpu.memref_slice %arg3[%mul3A_2] : memref<16384xi32, #tpu.memory_space<hbm>> -> memref<512xi32, #tpu.memory_space<hbm>>
      %dma_start3A_20 = tpu.memref_slice %arg3[%mul3A_2] : memref<16384xi32, #tpu.memory_space<hbm>> -> memref<512xi32, #tpu.memory_space<hbm>>
      tpu.enqueue_dma source(%dma_start3A_20 : memref<512xi32, #tpu.memory_space<hbm>>) target(%arg5 : memref<512xi32, #tpu.memory_space<vmem>>) target_semaphore(%run_scoped3A : memref<!tpu.dma_semaphore, #tpu.memory_space<semaphore_mem>>)
      %dma_wait3A_21 = tpu.memref_slice %arg3[%mul3A_2] : memref<16384xi32, #tpu.memory_space<hbm>> -> memref<512xi32, #tpu.memory_space<hbm>>
      %dma_wait3A_22 = tpu.memref_slice %arg3[%mul3A_2] : memref<16384xi32, #tpu.memory_space<hbm>> -> memref<512xi32, #tpu.memory_space<hbm>>
      tpu.wait_dma2 semaphore(%run_scoped3A : memref<!tpu.dma_semaphore, #tpu.memory_space<semaphore_mem>>) src(%dma_wait3A_22 : memref<512xi32, #tpu.memory_space<hbm>>) dst(%arg5 : memref<512xi32, #tpu.memory_space<vmem>>)
      tpu.yield
    }) : () -> ()
    %iota3A = tpu.iota {dimensions = array<i32: 0>} : vector<16xi32>
    %scan3A = arith.constant 0 : i32
    %scan3A_3 = arith.constant 512 : i32
    %scan3A_4 = arith.addi %scan3A, %scan3A_3 : i32
    %scan3A_5 = arith.constant 1 : i32
    scf.for %scan3A_19 = %scan3A to %scan3A_4 step %scan3A_5  : i32 {
      %mul3A_20 = arith.constant 1 : i32
      %mul3A_21 = arith.muli %scan3A_19, %mul3A_20 : i32
      %add3A_22 = arith.constant 0 : i32
      %add3A_23 = arith.addi %add3A_22, %mul3A_21 : i32
      %jit3A = arith.constant 16 : i32
      %div3A = arith.divsi %add3A_23, %jit3A : i32
      %sign3A = arith.constant 0 : i32
      %sign3A_24 = arith.cmpi sgt, %add3A_23, %sign3A : i32
      %sign3A_25 = arith.extui %sign3A_24 : i1 to i32
      %sign3A_26 = arith.constant 0 : i32
      %sign3A_27 = arith.cmpi slt, %add3A_23, %sign3A_26 : i32
      %sign3A_28 = arith.extui %sign3A_27 : i1 to i32
      %sign3A_29 = arith.subi %sign3A_25, %sign3A_28 : i32
      %sign3A_30 = arith.constant 0 : i32
      %sign3A_31 = arith.cmpi sgt, %jit3A, %sign3A_30 : i32
      %sign3A_32 = arith.extui %sign3A_31 : i1 to i32
      %sign3A_33 = arith.constant 0 : i32
      %sign3A_34 = arith.cmpi slt, %jit3A, %sign3A_33 : i32
      %sign3A_35 = arith.extui %sign3A_34 : i1 to i32
      %sign3A_36 = arith.subi %sign3A_32, %sign3A_35 : i32
      %ne3A = arith.cmpi ne, %sign3A_29, %sign3A_36 : i32
      %rem3A = arith.remsi %add3A_23, %jit3A : i32
      %ne3A_37 = arith.constant 0 : i32
      %ne3A_38 = arith.cmpi ne, %rem3A, %ne3A_37 : i32
      %and3A = arith.andi %ne3A, %ne3A_38 : i1
      %sub3A = arith.constant 1 : i32
      %sub3A_39 = arith.subi %div3A, %sub3A : i32
      %select_n3A = arith.select %and3A, %sub3A_39, %div3A : i32
      %mul3A_40 = arith.constant 16 : i32
      %mul3A_41 = arith.muli %select_n3A, %mul3A_40 : i32
      %get3A = arith.index_cast %mul3A_41 : i32 to index
      %get3A_42 = tpu.vector_load %arg5[%get3A] {strides = array<i32>} : memref<512xi32, #tpu.memory_space<vmem>>, vector<16xi32>,
      %sub3A_43 = arith.subi %add3A_23, %mul3A_41 : i32
      %eq3A = vector.broadcast %sub3A_43 : i32 to vector<16xi32>
      %eq3A_44 = arith.cmpi eq, %iota3A, %eq3A : vector<16xi32>
      %jit3A_45 = arith.constant 0 : i32
      %broadcast_in_dim3A = vector.broadcast %jit3A_45 : i32 to vector<16xi32>
      %select_n3A_46 = arith.select %eq3A_44, %get3A_42, %broadcast_in_dim3A : vector<16xi1>, vector<16xi32>
      %reduce_sum3A = arith.constant true
      %reduce_sum3A_47 = vector.broadcast %reduce_sum3A : i1 to vector<16xi1>
      %reduce_sum3A_48 = tpu.scan <sum>, %select_n3A_46 masked %reduce_sum3A_47 : vector<16xi32>, vector<16xi1> -> vector<16xi32>
      %reduce_sum3A_49 = vector.extract %reduce_sum3A_48[15] : i32 from vector<16xi32>
      %dma_start3A_50 = arith.constant 0 : i32
      %dma_start3A_51 = tpu.memref_slice %arg6[%add3A_23, %dma_start3A_50] : memref<512x32xf32, #tpu.memory_space<vmem>> -> memref<1x32xf32, #tpu.memory_space<vmem>>
      %dma_start3A_52 = tpu.memref_squeeze %dma_start3A_51 : memref<1x32xf32, #tpu.memory_space<vmem>> -> memref<32xf32, #tpu.memory_space<vmem>>
      %dma_start3A_53 = arith.constant 0 : i32
      %dma_start3A_54 = tpu.memref_slice %arg2[%reduce_sum3A_49, %dma_start3A_53] : memref<1000000x32xf32, #tpu.memory_space<hbm>> -> memref<1x32xf32, #tpu.memory_space<hbm>>
      %dma_start3A_55 = tpu.memref_squeeze %dma_start3A_54 : memref<1x32xf32, #tpu.memory_space<hbm>> -> memref<32xf32, #tpu.memory_space<hbm>>
      %dma_start3A_56 = arith.constant 0 : i32
      %dma_start3A_57 = tpu.memref_slice %arg6[%add3A_23, %dma_start3A_56] : memref<512x32xf32, #tpu.memory_space<vmem>> -> memref<1x32xf32, #tpu.memory_space<vmem>>
      %dma_start3A_58 = tpu.memref_squeeze %dma_start3A_57 : memref<1x32xf32, #tpu.memory_space<vmem>> -> memref<32xf32, #tpu.memory_space<vmem>>
      %dma_start3A_59 = arith.constant 0 : i32
      %dma_start3A_60 = tpu.memref_slice %arg2[%reduce_sum3A_49, %dma_start3A_59] : memref<1000000x32xf32, #tpu.memory_space<hbm>> -> memref<1x32xf32, #tpu.memory_space<hbm>>
      %dma_start3A_61 = tpu.memref_squeeze %dma_start3A_60 : memref<1x32xf32, #tpu.memory_space<hbm>> -> memref<32xf32, #tpu.memory_space<hbm>>
      tpu.enqueue_dma source(%dma_start3A_61 : memref<32xf32, #tpu.memory_space<hbm>>) target(%dma_start3A_58 : memref<32xf32, #tpu.memory_space<vmem>>) target_semaphore(%arg7 : memref<!tpu.dma_semaphore, #tpu.memory_space<semaphore_mem>>)
    }
    %scan3A_6 = arith.constant 512 : i32
    %dma_wait3A = arith.constant 0 : i32
    %dma_wait3A_7 = arith.constant 0 : i32
    %dma_wait3A_8 = tpu.memref_slice %arg2[%dma_wait3A, %dma_wait3A_7] : memref<1000000x32xf32, #tpu.memory_space<hbm>> -> memref<512x32xf32, #tpu.memory_space<hbm>>
    %dma_wait3A_9 = arith.constant 0 : i32
    %dma_wait3A_10 = arith.constant 0 : i32
    %dma_wait3A_11 = tpu.memref_slice %arg2[%dma_wait3A_9, %dma_wait3A_10] : memref<1000000x32xf32, #tpu.memory_space<hbm>> -> memref<512x32xf32, #tpu.memory_space<hbm>>
    tpu.wait_dma2 semaphore(%arg7 : memref<!tpu.dma_semaphore, #tpu.memory_space<semaphore_mem>>) src(%dma_wait3A_11 : memref<512x32xf32, #tpu.memory_space<hbm>>) dst(%arg6 : memref<512x32xf32, #tpu.memory_space<vmem>>)
    %dma_start3A = arith.constant 0 : i32
    %dma_start3A_12 = tpu.memref_slice %arg4[%mul3A_2, %dma_start3A] : memref<16384x32xf32, #tpu.memory_space<hbm>> -> memref<512x32xf32, #tpu.memory_space<hbm>>
    %dma_start3A_13 = arith.constant 0 : i32
    %dma_start3A_14 = tpu.memref_slice %arg4[%mul3A_2, %dma_start3A_13] : memref<16384x32xf32, #tpu.memory_space<hbm>> -> memref<512x32xf32, #tpu.memory_space<hbm>>
    tpu.enqueue_dma source(%arg6 : memref<512x32xf32, #tpu.memory_space<vmem>>) target(%dma_start3A_14 : memref<512x32xf32, #tpu.memory_space<hbm>>) target_semaphore(%arg8 : memref<!tpu.dma_semaphore, #tpu.memory_space<semaphore_mem>>)
    %dma_wait3A_15 = arith.constant 0 : i32
    %dma_wait3A_16 = tpu.memref_slice %arg4[%mul3A_2, %dma_wait3A_15] : memref<16384x32xf32, #tpu.memory_space<hbm>> -> memref<512x32xf32, #tpu.memory_space<hbm>>
    %dma_wait3A_17 = arith.constant 0 : i32
    %dma_wait3A_18 = tpu.memref_slice %arg4[%mul3A_2, %dma_wait3A_17] : memref<16384x32xf32, #tpu.memory_space<hbm>> -> memref<512x32xf32, #tpu.memory_space<hbm>>
    tpu.wait_dma2 semaphore(%arg8 : memref<!tpu.dma_semaphore, #tpu.memory_space<semaphore_mem>>) src(%arg6 : memref<512x32xf32, #tpu.memory_space<vmem>>) dst(%dma_wait3A_18 : memref<512x32xf32, #tpu.memory_space<hbm>>)
    return
  }
}

module attributes {stable_mosaic.version = 14 : i64} {
  func.func @_tc_body(%arg0: i32, %arg1: memref<2048x32xf32, #tpu.memory_space<vmem>>, %arg2: memref<2048x32xf32, #tpu.memory_space<vmem>>, %arg3: memref<2048x32xf32, #tpu.memory_space<vmem>>, %arg4: memref<128x32xf32, #tpu.memory_space<vmem>>, %arg5: memref<1x32xf32, #tpu.memory_space<vmem>>, %arg6: memref<1xf32, #tpu.memory_space<smem>>, %arg7: memref<2048x1xf32, #tpu.memory_space<vmem>>) attributes {dimension_semantics = [#tpu.dimension_semantics<arbitrary>], iteration_bounds = array<i64: 8>, scalar_prefetch = 0 : i64, scratch_operands = 0 : i64, tpu.core_type = #tpu.core_type<tc>, window_params = [{transform_indices = @transform_0, window_bounds = array<i64: 2048, 32>}, {transform_indices = @transform_1, window_bounds = array<i64: 2048, 32>}, {transform_indices = @transform_2, window_bounds = array<i64: 2048, 32>}, {pipeline_mode = #tpu.pipeline_mode<synchronous>, transform_indices = @transform_3, window_bounds = array<i64: 128, 32>}, {pipeline_mode = #tpu.pipeline_mode<synchronous>, transform_indices = @transform_4, window_bounds = array<i64: 1, 32>}, {transform_indices = @transform_5, window_bounds = array<i64: 1>}, {transform_indices = @transform_6, window_bounds = array<i64: 2048, 1>}]} {
    %get3A = arith.constant 0 : index
    %get3A_0 = arith.constant 0 : index
    %get3A_1 = vector.load %arg2[%get3A, %get3A_0] : memref<2048x32xf32, #tpu.memory_space<vmem>>, vector<2048x32xf32>
    %get3A_2 = arith.constant 0 : index
    %get3A_3 = arith.constant 0 : index
    %get3A_4 = vector.load %arg4[%get3A_2, %get3A_3] : memref<128x32xf32, #tpu.memory_space<vmem>>, vector<128x32xf32>
    %dot_general3A = arith.constant dense<0.000000e+00> : vector<2048x128xf32>
    %dot_general3A_5 = tpu.matmul %get3A_1, %get3A_4, %dot_general3A {dimension_numbers = #tpu.dot_dimension_numbers<[1], [1], [0], [0], [0, 0, 1, 0], [], []>, transpose_lhs_hint = false} : vector<2048x32xf32>, vector<128x32xf32>, vector<2048x128xf32> -> vector<2048x128xf32>
    %mul3A = arith.constant -2.000000e+00 : f32
    %mul3A_6 = vector.broadcast %mul3A : f32 to vector<2048x128xf32>
    %mul3A_7 = arith.mulf %mul3A_6, %dot_general3A_5 : vector<2048x128xf32>
    %mul3A_8 = arith.mulf %get3A_4, %get3A_4 : vector<128x32xf32>
    %reduce_sum3A = arith.constant dense<0.000000e+00> : vector<128xf32>
    %reduce_sum3A_9 = vector.multi_reduction <add>, %mul3A_8, %reduce_sum3A [1] : vector<128x32xf32> to vector<128xf32>
    %iota3A = tpu.iota {dimensions = array<i32: 1>} : vector<1x128xi32>
    %iota3A_10 = vector.shape_cast %iota3A : vector<1x128xi32> to vector<128xi32>
    %lt3A = arith.constant 100 : i32
    %lt3A_11 = vector.broadcast %lt3A : i32 to vector<128xi32>
    %lt3A_12 = arith.cmpi slt, %iota3A_10, %lt3A_11 : vector<128xi32>
    %jit3A = arith.constant 0.000000e+00 : f32
    %jit3A_13 = arith.constant 1.000000e+30 : f32
    %broadcast_in_dim3A = vector.broadcast %jit3A : f32 to vector<128xf32>
    %broadcast_in_dim3A_14 = vector.broadcast %jit3A_13 : f32 to vector<128xf32>
    %select_n3A = arith.select %lt3A_12, %broadcast_in_dim3A, %broadcast_in_dim3A_14 : vector<128xi1>, vector<128xf32>
    %add3A = arith.addf %reduce_sum3A_9, %select_n3A : vector<128xf32>
    %broadcast_in_dim3A_15 = vector.shape_cast %add3A : vector<128xf32> to vector<1x128xf32>
    %add3A_16 = vector.broadcast %broadcast_in_dim3A_15 : vector<1x128xf32> to vector<2048x128xf32>
    %add3A_17 = arith.addf %mul3A_7, %add3A_16 : vector<2048x128xf32>
    %argmin3A = tpu.reduce_index %add3A_17 {axis = 1 : i32, kind = #tpu.reduction_kind<arg_min>} : vector<2048x128xf32> -> vector<2048xi32>
    %iota3A_18 = tpu.iota {dimensions = array<i32: 1>} : vector<2048x128xi32>
    %broadcast_in_dim3A_19 = vector.shape_cast %argmin3A : vector<2048xi32> to vector<2048x1xi32>
    %eq3A = vector.broadcast %broadcast_in_dim3A_19 : vector<2048x1xi32> to vector<2048x128xi32>
    %eq3A_20 = arith.cmpi eq, %iota3A_18, %eq3A : vector<2048x128xi32>
    %convert_element_type3A = arith.extui %eq3A_20 : vector<2048x128xi1> to vector<2048x128xi32>
    %convert_element_type3A_21 = arith.sitofp %convert_element_type3A : vector<2048x128xi32> to vector<2048x128xf32>
    %dot_general3A_22 = arith.constant dense<0.000000e+00> : vector<2048x32xf32>
    %dot_general3A_23 = tpu.matmul %convert_element_type3A_21, %get3A_4, %dot_general3A_22 {dimension_numbers = #tpu.dot_dimension_numbers<[1], [0], [0], [1], [0, 0, 1, 1], [], []>, transpose_lhs_hint = false} : vector<2048x128xf32>, vector<128x32xf32>, vector<2048x32xf32> -> vector<2048x32xf32>
    %get3A_24 = arith.constant 0 : index
    %get3A_25 = arith.constant 0 : index
    %get3A_26 = vector.load %arg1[%get3A_24, %get3A_25] : memref<2048x32xf32, #tpu.memory_space<vmem>>, vector<2048x32xf32>
    %mul3A_27 = arith.mulf %get3A_26, %dot_general3A_23 : vector<2048x32xf32>
    %get3A_28 = arith.constant 0 : index
    %get3A_29 = arith.constant 0 : index
    %get3A_30 = vector.load %arg3[%get3A_28, %get3A_29] : memref<2048x32xf32, #tpu.memory_space<vmem>>, vector<2048x32xf32>
    %mul3A_31 = arith.mulf %mul3A_27, %get3A_30 : vector<2048x32xf32>
    %get3A_32 = arith.constant 0 : index
    %get3A_33 = arith.constant 0 : index
    %get3A_34 = vector.load %arg5[%get3A_32, %get3A_33] : memref<1x32xf32, #tpu.memory_space<vmem>>, vector<1x32xf32>
    %mul3A_35 = vector.broadcast %get3A_34 : vector<1x32xf32> to vector<2048x32xf32>
    %mul3A_36 = arith.mulf %mul3A_31, %mul3A_35 : vector<2048x32xf32>
    %reduce_sum3A_37 = arith.constant dense<0.000000e+00> : vector<2048xf32>
    %reduce_sum3A_38 = vector.multi_reduction <add>, %mul3A_36, %reduce_sum3A_37 [1] : vector<2048x32xf32> to vector<2048xf32>
    %broadcast_in_dim3A_39 = vector.shape_cast %reduce_sum3A_38 : vector<2048xf32> to vector<2048x1xf32>
    %get3A_40 = arith.constant 0 : index
    %get3A_41 = memref.load %arg6[%get3A_40] : memref<1xf32, #tpu.memory_space<smem>>
    %add3A_42 = vector.broadcast %get3A_41 : f32 to vector<2048x1xf32>
    %add3A_43 = arith.addf %broadcast_in_dim3A_39, %add3A_42 : vector<2048x1xf32>
    %logistic3A = arith.negf %add3A_43 : vector<2048x1xf32>
    %logistic3A_44 = math.exp %logistic3A : vector<2048x1xf32>
    %logistic3A_45 = arith.constant 1.000000e+00 : f32
    %logistic3A_46 = vector.broadcast %logistic3A_45 : f32 to vector<2048x1xf32>
    %logistic3A_47 = arith.addf %logistic3A_46, %logistic3A_44 : vector<2048x1xf32>
    %logistic3A_48 = arith.divf %logistic3A_46, %logistic3A_47 : vector<2048x1xf32>
    %swap3A = arith.constant 0 : index
    %swap3A_49 = arith.constant 0 : index
    %swap3A_50 = vector.load %arg7[%swap3A, %swap3A_49] : memref<2048x1xf32, #tpu.memory_space<vmem>>, vector<2048x1xf32>
    tpu.vector_store %arg7[%swap3A, %swap3A_49], %logistic3A_48 {strides = array<i32>} : memref<2048x1xf32, #tpu.memory_space<vmem>>, vector<2048x1xf32>,
    return
  }
  func.func @transform_0(%arg0: i32) -> (i32, i32) {
    %c0_i32 = arith.constant 0 : i32
    %c0_i32_0 = arith.constant 0 : i32
    return %arg0, %c0_i32 : i32, i32
  }
  func.func @transform_1(%arg0: i32) -> (i32, i32) {
    %c0_i32 = arith.constant 0 : i32
    %c0_i32_0 = arith.constant 0 : i32
    return %arg0, %c0_i32 : i32, i32
  }
  func.func @transform_2(%arg0: i32) -> (i32, i32) {
    %c0_i32 = arith.constant 0 : i32
    %c0_i32_0 = arith.constant 0 : i32
    return %arg0, %c0_i32 : i32, i32
  }
  func.func @transform_3(%arg0: i32) -> (i32, i32) {
    %c0_i32 = arith.constant 0 : i32
    %c0_i32_0 = arith.constant 0 : i32
    %c0_i32_1 = arith.constant 0 : i32
    return %c0_i32, %c0_i32_0 : i32, i32
  }
  func.func @transform_4(%arg0: i32) -> (i32, i32) {
    %c0_i32 = arith.constant 0 : i32
    %c0_i32_0 = arith.constant 0 : i32
    %c0_i32_1 = arith.constant 0 : i32
    return %c0_i32, %c0_i32_0 : i32, i32
  }
  func.func @transform_5(%arg0: i32) -> i32 {
    %c0_i32 = arith.constant 0 : i32
    %c0_i32_0 = arith.constant 0 : i32
    return %c0_i32 : i32
  }
  func.func @transform_6(%arg0: i32) -> (i32, i32) {
    %c0_i32 = arith.constant 0 : i32
    %c0_i32_0 = arith.constant 0 : i32
    return %arg0, %c0_i32 : i32, i32
  }
}

</mosaic_0001>

<sc_bundles>
// kernel: kernel.12.cloned.1.call-start
scs
__scs_entry_jumppad:
0x0: {  	(pc) =	sbr.rel $0x88, $3  }
0x1: {  	(tag) =	ssettag $0x0;
	lr =	simm.s32 $0x1  }
0x2: {  	[smem:$0x3F99] =	sst lr;
	_ =	strace $0xD0000000  }
0x3: {  	_ = 	snop  }
0x4: {  	_ = 	snop  }
0x5: {  	_ = 	snop  }
0x6: {  	_ = 	snop  }
0x7: {  	_ = 	snop  }
__scs_overlays_trampoline_lowered:
0x8: {  	[smem:$0x3FA8] =	sst s0  }
0x9: {  	[smem:$0x3FA9] =	sst s1  }
0xa: {  	[smem:$0x3FAA] =	sst s2  }
0xb: {  	[smem:$0x3FAB] =	sst s3  }
0xc: {  	[smem:$0x3FAC] =	sst s4  }
0xd: {  	[smem:$0x3FAD] =	sst s5  }
0xe: {  	[smem:$0x3FAE] =	sst s6  }
0xf: {  	[smem:$0x3FAF] =	sst s7  }
0x10: {  	[smem:$0x3FB0] =	sst s8  }
0x11: {  	[smem:$0x3FB1] =	sst s9;
	s0 =	simm.s32 @!p0 $0x0  }
0x12: {  	s1 =	sld [smem:$0x3F97];
	s0 =	simm.s32 @p0 $0x1  }
0x13: {  	[smem:$0x3FB2] =	sst s0;
	s0 =	simm.s32 @!p1 $0x0  }
0x14: {  	s2 =	sld [smem:$0x3F96];
	s0 =	simm.s32 @p1 $0x1  }
0x15: {  	[smem:$0x3FB3] =	sst s0;
	s0 =	simm.s32 @!p2 $0x0  }
0x16: {  	s3 =	sld [smem:$0x3FDB];
	s0 =	simm.s32 @p2 $0x1  }
0x17: {  	s4 =	simm.s32 $0x1BF5;
	[smem:$0x3FB5] =	sst s0  }
0x18: {  	s0 =	sld [smem:$0x3F98];
	_ =	swait.ge [sflag:s4], $0x0  }
0x19: {  	s7 =	sld [smem:$0x3F99]  }
0x1a: {  	s8 =	sadd.s32 $0xFFFFE003, lr  }
0x1b: {  	s9 =	sadd.s32 $0xFFFFFEF7, lr;
	s5 =	simm.s32 $0xFFFFFFFF;
	p2 =	slt.u32 s8, $0xFFFFF086  }
0x1c: {  	p1 =	slt.u32 s9, $0xF7A;
	s5 =	simm.s32 @!p2 $0x0  }
0x1d: {  	s5 =	simm.s32 @p1 $0x1;
	p0 =	seq.s32 s7, s2  }
0x1e: {  	s7 =	smul.u32 @!p0 $0xF7A, s2;
	p2 =	seq.s32 @!p0 s5, $0x0  }
0x1f: {  	s9 =	smul.u32 $0xF7A, s1;
	s8 =	simm.s32 @!p0 $0x1BF5;
	p2 =	por !p2, p0  }
0x20: {  	[sflag:s8] =	ssyncset.s32 @!p0 $0xFFFFF086;
	s6 =	sadd.s32 @!p0 s3, s7;
	s7 =	simm.s32 @!p0 $0x108  }
0x21: {  	s3 =	sadd.s32 s3, s9;
	s6 =	sadd.s32 @!p0 $0x88, s6;
	s7 =	simm.s32 @p2 $0x1082  }
0x22: {  	[simem:s7], [sflag:s8] =	dma.local @!p0 [hbm:s6], $0xF7A  }
0x23: {  	s9 =	sor.u32 $0xD0000000, s2;
	s6 =	simm.s32 $0x108;
	_ =	swait.ge @!p0 [sflag:s8], $0x0  }
0x24: {  	s3 =	sadd.s32 $0x88, s3;
	s6 =	simm.s32 @!p1 $0x1082;
	[sflag:s4] =	ssyncset.s32 $0xFFFFF086  }
0x25: {  	[simem:s6], [sflag:s4] =	dma.local [hbm:s3], $0xF7A  }
0x26: {  	[smem:$0x3F99] =	sst s1;
	(tag) =	ssettag s2;
	_ =	strace s9  }
0x27: {  	s1 =	sld [smem:$0x3FA9]  }
0x28: {  	s2 =	sld [smem:$0x3FAA]  }
0x29: {  	s4 =	sld [smem:$0x3FAC]  }
0x2a: {  	p0 =	seq.s32 s5, $0x0;
	s5 =	sld [smem:$0x3FAD]  }
0x2b: {  	s6 =	sld [smem:$0x3FAE]  }
0x2c: {  	s7 =	sld [smem:$0x3FAF]  }
0x2d: {  	s3 =	simm.s32 $0x108;
	s8 =	sld [smem:$0x3FB0]  }
0x2e: {  	s3 =	simm.s32 @!p0 $0x1082;
	s9 =	sld [smem:$0x3FB1]  }
0x2f: {  	lr =	sadd.s32 s0, s3;
	s0 =	sld [smem:$0x3FA8]  }
0x30: {  	s3 =	sld [smem:$0x3FAB]  }
0x31: {  	[smem:$0x3FB4] =	sst s10  }
0x32: {  	s10 =	sld [smem:$0x3FB2];
	_ =	sdelay $0x3  }
0x33: {  	p0 =	seq.s32 s10, $0x1;
	s10 =	sld [smem:$0x3FB4];
	_ =	sdelay $0x3  }
0x34: {  	[smem:$0x3FB4] =	sst s10  }
0x35: {  	s10 =	sld [smem:$0x3FB3];
	_ =	sdelay $0x3  }
0x36: {  	p1 =	seq.s32 s10, $0x1;
	s10 =	sld [smem:$0x3FB4];
	_ =	sdelay $0x3  }
0x37: {  	[smem:$0x3FB4] =	sst s10  }
0x38: {  	s10 =	sld [smem:$0x3FB5]  }
0x39: {  	_ = 	snop;
	(pc) =	sbr.ind lr, $3  }
0x3a: {  	_ = 	snop  }
0x3b: {  	_ = 	snop  }
0x3c: {  	p2 =	seq.s32 s10, $0x1;
	s10 =	sld [smem:$0x3FB4]  }
0x3d: {  	_ =	shalt  }
0x3e: {  	_ =	shalt  }
0x3f: {  	_ =	shalt  }
0x40: {  	_ =	shalt  }
0x41: {  	_ =	shalt  }
0x42: {  	_ =	shalt  }
0x43: {  	_ =	shalt  }
0x44: {  	_ =	shalt  }
0x45: {  	_ =	shalt  }
0x46: {  	_ =	shalt  }
0x47: {  	_ =	shalt  }
0x48: {  	_ =	shalt  }
0x49: {  	_ =	shalt  }
0x4a: {  	_ =	shalt  }
0x4b: {  	_ =	shalt  }
0x4c: {  	_ =	shalt  }
0x4d: {  	_ =	shalt  }
0x4e: {  	_ =	shalt  }
0x4f: {  	_ =	shalt  }
0x50: {  	_ =	shalt  }
0x51: {  	_ =	shalt  }
0x52: {  	_ =	shalt  }
0x53: {  	_ =	shalt  }
0x54: {  	_ =	shalt  }
0x55: {  	_ =	shalt  }
0x56: {  	_ =	shalt  }
0x57: {  	_ =	shalt  }
0x58: {  	_ =	shalt  }
0x59: {  	_ =	shalt  }
0x5a: {  	_ =	shalt  }
0x5b: {  	_ =	shalt  }
0x5c: {  	_ =	shalt  }
0x5d: {  	_ =	shalt  }
0x5e: {  	_ =	shalt  }
0x5f: {  	_ =	shalt  }
0x60: {  	_ =	shalt  }
0x61: {  	_ =	shalt  }
0x62: {  	_ =	shalt  }
0x63: {  	_ =	shalt  }
0x64: {  	_ =	shalt  }
0x65: {  	_ =	shalt  }
0x66: {  	_ =	shalt  }
0x67: {  	_ =	shalt  }
0x68: {  	_ =	shalt  }
0x69: {  	_ =	shalt  }
0x6a: {  	_ =	shalt  }
0x6b: {  	_ =	shalt  }
0x6c: {  	_ =	shalt  }
0x6d: {  	_ =	shalt  }
0x6e: {  	_ =	shalt  }
0x6f: {  	_ =	shalt  }
0x70: {  	_ =	shalt  }
0x71: {  	_ =	shalt  }
0x72: {  	_ =	shalt  }
0x73: {  	_ =	shalt  }
0x74: {  	_ =	shalt  }
0x75: {  	_ =	shalt  }
0x76: {  	_ =	shalt  }
0x77: {  	_ =	shalt  }
0x78: {  	_ =	shalt  }
0x79: {  	_ =	shalt  }
0x7a: {  	_ =	shalt  }
0x7b: {  	_ =	shalt  }
0x7c: {  	_ =	shalt  }
0x7d: {  	_ =	shalt  }
0x7e: {  	_ =	shalt  }
0x7f: {  	_ =	shalt  }
0x80: {  	_ =	shalt  }
0x81: {  	_ =	shalt  }
0x82: {  	_ =	shalt  }
0x83: {  	_ =	shalt  }
0x84: {  	_ =	shalt  }
0x85: {  	_ =	shalt  }
0x86: {  	_ =	shalt  }
0x87: {  	_ =	shalt  }
.Lfunc_end0:
.L_simem_size_0:
called_computation.2_lowered:
.L_overlay_start_0:
0x88: {  	s2 =	sld [smem:$0x3FD9]  }
0x89: {  	s3 =	sld [smem:$0x3FFE];
	_ =	sdelay $0x1  }
0x8a: {  	s1 =	srdreg.scid  }
0x8b: {  	s0 =	sand.u32 $0x1, s1  }
0x8c: {  	s17 =	sshll.u32 s0, $0xA;
	s2 =	sadd.s32 s3, s2  }
0x8d: {  	s2 =	sadd.s32 s2, s17  }
0x8e: {  	[smem:$0x3FC0] =	sst s2  }
0x8f: {  	_ = 	snop  }
0x90: {  	s2 =	sld [smem:$0x3FC8];
	(tm) =	ssettm $0x1  }
0x91: {  	s18 =	sld [smem:$0x3FFB];
	_ =	sdelay $0x3  }
0x92: {  	_ =	strace s18  }
0x93: {  	s3 =	sld [smem:$0x3FFC];
	_ =	sdelay $0x3  }
0x94: {  	_ =	strace s3  }
0x95: {  	s3 =	sld [smem:$0x3FFD];
	_ =	sdelay $0x3  }
0x96: {  	_ =	strace s3  }
0x97: {  	_ =	strace $0x8FFFFFFF  }
0x98: {  	s19 =	sld [smem:$0x3FDB];
	_ =	sdelay $0x1  }
0x99: {  	s4 =	simm.s32 $_scs_section_size  }
0x9a: {  	s5 =	simm.s32 $_size__tile_overlayer_lowered;
	s6 =	simm.s32 $_tile_overlayer_lowered  }
0x9b: {  	s22 =	simm.s32 $0x1BFF;
	s21 =	sshll.u32 s6, $0x1;
	s3 =	sadd.s32 s4, s19  }
0x9c: {  	s7 =	simm.s32 $0x0;
	s20 =	sshll.u32 s5, $0x1;
	s5 =	sadd.s32 s21, s3  }
0x9d: {  	[timem:s7], [sflag:s22] =	dma.local [hbm:s5], s20  }
0x9e: {  	_ =	swait.ge [sflag:s22], s20  }
0x9f: {  	s4 =	ssub.s32 $0x0, s20;
	[sflag:s22] =	ssyncset.done $0x0  }
0xa0: {  	[sflag:s22] =	ssyncadd.s32 s4;
	_ =	sdelay $0x1  }
0xa1: {  	s23 =	simm.s32 $0x1B8B  }
0xa2: {  	_ =	swait.ge [sflag:s23], $0x1  }
0xa3: {  	[sflag:s23] =	ssyncset.done $0x0  }
0xa4: {  	s25 =	simm.s32 $0x1B8E;
	s24 =	sld [smem:$0x3FFE];
	[sflag:s23] =	ssyncadd.s32 $0xFFFFFFFF  }
0xa5: {  	s26 =	simm.s32 $execute0_lowered;
	[smem:$0x3FD2] =	sst s25  }
0xa6: {  	s5 =	sshll.u32 s26, $0x1;
	_ =	strace $0x80000046;
	[dreg:$0x1] =	wrdreg $0xFFFFFFFF  }
0xa7: {  	s28 =	simm.s32 $_size_execute0_lowered;
	s3 =	sadd.s32 s3, s5;
	[dreg:$0x0] =	wrdreg $0x0  }
0xa8: {  	s5 =	sshll.u32 s28, $0x1;
	[dreg:$0x2] =	wrdreg s3  }
0xa9: {  	[dreg:$0x3] =	wrdreg s5  }
0xaa: {  	[dreg:$0x4] =	wrdreg $0xC0  }
0xab: {  	_ =	task [dreg:s7], $0x5FFFF  }
0xac: {  	[dreg:$0x1] =	wrdreg $0xFFFFFFFF  }
0xad: {  	[dreg:$0x0] =	wrdreg $0x60  }
0xae: {  	[dreg:$0x2] =	wrdreg s24  }
0xaf: {  	[dreg:$0x3] =	wrdreg s2  }
0xb0: {  	[dreg:$0x4] =	wrdreg $0xB  }
0xb1: {  	_ =	task.clear_ibuf [dreg:s7], $0x5FFFF;
	_ =	strace $0x90000046  }
0xb2: {  	s29 =	simm.s32 $0xB;
	_ =	strace $0x80000048  }
0xb3: {  	_ =	swait.ge [sflag:s29], $0x1  }
0xb4: {  	[sflag:s29] =	ssyncadd.s32 $0xFFFFFFFF  }
0xb5: {  	_ =	strace $0x90000048  }
0xb6: {  	_ =	sfence  }
0xb7: {  	s30 =	sld [smem:$0x0];
	_ =	sdelay $0x2  }
0xb8: {  	s31 =	sshll.u32 s1, $0xD;
	s1 =	sshrl.u32 s1, $0x2  }
0xb9: {  	s3 =	sand.u32 $0x4000, s31;
	s1 =	sadd.s32 s1, s30  }
0xba: {  	s0 =	sor.u32 s3, s0;
	s1 =	sshll.u32 s1, $0x11  }
0xbb: {  	s0 =	sor.u32 s1, s0  }
0xbc: {  	s0 =	sadd.s32 $0x8F2B, s0  }
0xbd: {  	[sflag:s0] =	ssyncadd.remote.s32 $0x1  }
0xbe: {  	_ =	sfence.sel $0xFFFF  }
0xbf: {  	[dreg:$0x0] =	wrdreg $0xFFFFFFFF;
	(pc) =	sbr.abs _section_cstart, $3  }
0xc0: {  	[dreg:$0x1] =	wrdreg $0xFFFFFFFF  }
0xc1: {  	_ =	task.clear_ibuf [dreg:s7], $0x2FFFF;
	_ =	strace $0x9FFFFFFF  }
0xc2: {  	(tm) =	ssettm $0x7FFFFFFF  }
0xc3: {  	_ =	shalt  }
tec
execute0_lowered:
.L_overlay_start_1:
0x0: {  	(tag) =	ssettag $0x1  }
0x1: {  	s4 =	rddreg [dreg:$0x0]  }
0x2: {  	s5 =	rddreg [dreg:$0x1]  }
0x3: {  	s0 =	rddreg [dreg:$0x2]  }
0x4: {  	s3 =	srdreg.scid;
	s2 =	simm.s32 $0x0;
	s1 =	stileid.u32  }
0x5: {  	s9 =	simm.s32 $0x200;
	s10 =	simm.s32 $0x2;
	s11 =	simm.s32 $0x0  }
0x6: {  	s6 =	sand.u32 $0x1, s3;
	[smem:$0x7FF] =	sst s2;
	s30 =	sshll.u32 s1, $0xA  }
0x7: {  	s3 =	sadd.s32 $0x1200, s4;
	s7 =	sshll.u32 s6, $0x9;
	s6 =	ssub.s32 $0x2, s6  }
0x8: {  	_ =	strace $0x80000047;
	s7 =	sor.u32 s7, s30;
	s31 =	sshrl.u32 s6, $0x1  }
0x9: {  	s8 =	sshll.u32 s7, $0x4;
	s7 =	sshrl.u32 s7, $0x3;
	s6 =	ssub.s32 s6, s31  }
0xa: {  	s8 =	sadd.s32 s8, s4;
	s4 =	sadd.s32 s5, s7;
	s6 =	smax.u32 s6, $0x1  }
0xb: {  	v0 =	vlaneseq.u32;
	s7 =	simm.s32 $0x3;
	s5 =	sadd.s32 $0xF43600, s8;
	s8 =	simm.s32 $0x1  }
.LBB2_1:
0xc: {  	[tilespmem:s2], [sflag:$0x3] =	stream.linear.gather [hbm4b:s4+s2], $0x200, $0x38;
	[tilespmem:$0x10200] =	vst v63  }
0xd: {  	_ =	swait.ge [sflag:s7], $0x200  }
0xe: {  	[sflag:s7] =	ssyncset.done $0x0  }
0xf: {  	s12 =	sand.u32 $0x1F0, s2;
	[sflag:s7] =	ssyncadd.s32 $0xFFFFFE00  }
0x10: {  	v1 =	vld [tilespmem:s12+$0x0];
	_ =	sdelay $0x1  }
0x11: {  	s29 =	sand.u32 $0xF, s2  }
0x12: {  	v2 =	vmov s29  }
0x13: {  	vm0 =	veq.s32 v2, v0  }
0x14: {  	v1 =	vnsel vm0, $0x0, v1  }
0x15: {  	(xrf0) =	vadd.scan.msk.s32 $0xffff, v1;
	_ =	sdelay $0x5  }
0x16: {  	v1, _, _ =	vpop (xrf0)  }
0x17: {  	(v2sf) =	vpush v1, $0xF;
	_ =	sdelay $0xe  }
0x18: {  	s30 =	spop (v2sf)  }
0x19: {  	s12 =	sshll.u32 s30, $0x4  }
0x1a: {  	s13 =	simm.s32 $0x1;
	s12 =	sand.u32 $0x1FFFFFF0, s12  }
0x1b: {  	s31 =	sand.u32 $0x1F0, s13;
	s12 =	sadd.s32 s3, s12  }
0x1c: {  	[tilespmem:s9], [sflag:$0x1] =	stream.linear.gather [hbm4b:s12+s2], $0x80, $0x38;
	[tilespmem:$0x10200] =	vst v63  }
0x1d: {  	s14 =	simm.s32 $0x2;
	s12 =	simm.s32 $0x200;
	v1 =	vld [tilespmem:s31+$0x0]  }
.LBB2_2:
0x1e: {  	p0 =	sne.s32 s14, $0x1FF  }
0x1f: {  	s15 =	sand.u32 $0xF, s13;
	s13 =	smov.u32 s14  }
0x20: {  	v2 =	vmov s15  }
0x21: {  	vm0 =	veq.s32 v2, v0  }
0x22: {  	v1 =	vnsel vm0, $0x0, v1  }
0x23: {  	(xrf0) =	vadd.scan.msk.s32 $0xffff, v1;
	_ =	sdelay $0x5  }
0x24: {  	v1, _, _ =	vpop (xrf0)  }
0x25: {  	(v2sf) =	vpush v1, $0xF;
	_ =	sdelay $0xe  }
0x26: {  	s15 =	spop (v2sf)  }
.Ltmp0:
0x27: {  	s15 =	sshll.u32 s15, $0x4;
	(pc) =	sbr.rel @p0 .LBB2_2-.Ltmp0, $4  }
0x28: {  	s15 =	sand.u32 $0x1FFFFFF0, s15  }
0x29: {  	s16 =	sand.u32 $0x1F0, s14;
	s12 =	sadd.s32 $0x80, s12;
	s15 =	sadd.s32 s3, s15  }
0x2a: {  	[tilespmem:s12], [sflag:$0x1] =	stream.linear.gather [hbm4b:s15+s2], $0x80, $0x38;
	[tilespmem:$0x10200] =	vst v63  }
0x2b: {  	s14 =	sadd.s32 $0x1, s14;
	v1 =	vld [tilespmem:s16+$0x0]  }
0x2c: {  	_ = 	snop  }
0x2d: {  	s13 =	sand.u32 $0xF, s13  }
0x2e: {  	v2 =	vmov s13  }
0x2f: {  	vm0 =	veq.s32 v2, v0  }
0x30: {  	v1 =	vnsel vm0, $0x0, v1  }
0x31: {  	(xrf0) =	vadd.scan.msk.s32 $0xffff, v1;
	_ =	sdelay $0x5  }
0x32: {  	v1, _, _ =	vpop (xrf0)  }
0x33: {  	(v2sf) =	vpush v1, $0xF;
	_ =	sdelay $0xe  }
0x34: {  	s31 =	spop (v2sf)  }
0x35: {  	s13 =	sshll.u32 s31, $0x4  }
0x36: {  	s13 =	sand.u32 $0x1FFFFFF0, s13  }
0x37: {  	s12 =	sadd.s32 $0x80, s12;
	s13 =	sadd.s32 s3, s13  }
0x38: {  	[tilespmem:s12], [sflag:$0x1] =	stream.linear.gather [hbm4b:s13+s2], $0x80, $0x38;
	[tilespmem:$0x10200] =	vst v63  }
0x39: {  	s11 =	sadd.s32 $0x1, s11;
	_ =	swait.ge [sflag:s8], $0x10000  }
0x3a: {  	p0 =	sne.s32 s11, s6;
	[sflag:s8] =	ssyncset.done $0x0  }
.Ltmp1:
0x3b: {  	[sflag:s8] =	ssyncadd.s32 $0xFFFF0000;
	(pc) =	sbr.rel @p0 .LBB2_1-.Ltmp1, $4  }
0x3c: {  	[hbm4b:s5+s2] =	stream.linear.scatter [tilespmem:s9], [sflag:$0x2], $0x10000, $0x38;
	[tilespmem:$0x10200] =	vst v63  }
0x3d: {  	_ =	swait.ge [sflag:s10], $0x10000  }
0x3e: {  	[sflag:s10] =	ssyncset.done $0x0  }
0x3f: {  	[sflag:s10] =	ssyncadd.s32 $0xFFFF0000  }
0x40: {  	_ =	sfence.sel $0x180000  }
0x41: {  	[bflag:$0x0] =	sbarrier.arrive $0xFFFF  }
0x42: {  	p0 =	sne.s32 s1, $0x0;
	_ =	strace $0x90000047  }
0x43: {  	s0 =	sadd.s32 @!p0 $0x100000, s0;
	[bflag:$0x2] =	sbarrier.arrive $0xFFFF  }
0x44: {  	[sflag:s0] =	ssyncadd.tile.s32 @!p0 $0x1;
	_ =	shalt  }
.Lfunc_end2:
_tile_overlayer_lowered:
.L_overlay_start_2:
0x45: {  	(tag) =	ssettag $0x2  }
0x46: {  	s0 =	rddreg [dreg:$0x0];
	s2 =	stileid.u32  }
0x47: {  	s1 =	rddreg [dreg:$0x1];
	p0 =	sne.s32 s2, $0x0  }
0x48: {  	s3 =	rddreg [dreg:$0x2];
	[bflag:$0x3] =	sbarrier.arrive $0xFFFF;
	s2 =	simm.s32 @!p0 $0x1C03  }
0x49: {  	[timem:s3], [sflag:s2] =	dma.local @!p0 [hbm:s0], s1  }
0x4a: {  	s0 =	simm.s32 @!p0 $0x3  }
0x4b: {  	_ =	swait.ge @!p0 [sflag:s0], s1  }
0x4c: {  	s1 =	ssub.s32 @!p0 $0x0, s1;
	[sflag:s0] =	ssyncset.done @!p0 $0x0  }
0x4d: {  	[sflag:s0] =	ssyncadd.s32 @!p0 s1  }
0x4e: {  	[bflag:$0x3] =	sbarrier.arrive $0xFFFF  }
0x4f: {  	_ =	shalt  }

// kernel: kernel.6.cloned.1.call-start
scs
__scs_entry_jumppad:
0x0: {  	(pc) =	sbr.rel $0x88, $3  }
0x1: {  	(tag) =	ssettag $0x0;
	lr =	simm.s32 $0x1  }
0x2: {  	[smem:$0x3F99] =	sst lr;
	_ =	strace $0xD0000000  }
0x3: {  	_ = 	snop  }
0x4: {  	_ = 	snop  }
0x5: {  	_ = 	snop  }
0x6: {  	_ = 	snop  }
0x7: {  	_ = 	snop  }
__scs_overlays_trampoline_lowered:
0x8: {  	[smem:$0x3FA8] =	sst s0  }
0x9: {  	[smem:$0x3FA9] =	sst s1  }
0xa: {  	[smem:$0x3FAA] =	sst s2  }
0xb: {  	[smem:$0x3FAB] =	sst s3  }
0xc: {  	[smem:$0x3FAC] =	sst s4  }
0xd: {  	[smem:$0x3FAD] =	sst s5  }
0xe: {  	[smem:$0x3FAE] =	sst s6  }
0xf: {  	[smem:$0x3FAF] =	sst s7  }
0x10: {  	[smem:$0x3FB0] =	sst s8  }
0x11: {  	[smem:$0x3FB1] =	sst s9;
	s0 =	simm.s32 @!p0 $0x0  }
0x12: {  	s1 =	sld [smem:$0x3F97];
	s0 =	simm.s32 @p0 $0x1  }
0x13: {  	[smem:$0x3FB2] =	sst s0;
	s0 =	simm.s32 @!p1 $0x0  }
0x14: {  	s2 =	sld [smem:$0x3F96];
	s0 =	simm.s32 @p1 $0x1  }
0x15: {  	[smem:$0x3FB3] =	sst s0;
	s0 =	simm.s32 @!p2 $0x0  }
0x16: {  	s3 =	sld [smem:$0x3FDB];
	s0 =	simm.s32 @p2 $0x1  }
0x17: {  	s4 =	simm.s32 $0x1BF5;
	[smem:$0x3FB5] =	sst s0  }
0x18: {  	s0 =	sld [smem:$0x3F98];
	_ =	swait.ge [sflag:s4], $0x0  }
0x19: {  	s7 =	sld [smem:$0x3F99]  }
0x1a: {  	s8 =	sadd.s32 $0xFFFFE003, lr  }
0x1b: {  	s9 =	sadd.s32 $0xFFFFFEF7, lr;
	s5 =	simm.s32 $0xFFFFFFFF;
	p2 =	slt.u32 s8, $0xFFFFF086  }
0x1c: {  	p1 =	slt.u32 s9, $0xF7A;
	s5 =	simm.s32 @!p2 $0x0  }
0x1d: {  	s5 =	simm.s32 @p1 $0x1;
	p0 =	seq.s32 s7, s2  }
0x1e: {  	s7 =	smul.u32 @!p0 $0xF7A, s2;
	p2 =	seq.s32 @!p0 s5, $0x0  }
0x1f: {  	s9 =	smul.u32 $0xF7A, s1;
	s8 =	simm.s32 @!p0 $0x1BF5;
	p2 =	por !p2, p0  }
0x20: {  	[sflag:s8] =	ssyncset.s32 @!p0 $0xFFFFF086;
	s6 =	sadd.s32 @!p0 s3, s7;
	s7 =	simm.s32 @!p0 $0x108  }
0x21: {  	s3 =	sadd.s32 s3, s9;
	s6 =	sadd.s32 @!p0 $0x88, s6;
	s7 =	simm.s32 @p2 $0x1082  }
0x22: {  	[simem:s7], [sflag:s8] =	dma.local @!p0 [hbm:s6], $0xF7A  }
0x23: {  	s9 =	sor.u32 $0xD0000000, s2;
	s6 =	simm.s32 $0x108;
	_ =	swait.ge @!p0 [sflag:s8], $0x0  }
0x24: {  	s3 =	sadd.s32 $0x88, s3;
	s6 =	simm.s32 @!p1 $0x1082;
	[sflag:s4] =	ssyncset.s32 $0xFFFFF086  }
0x25: {  	[simem:s6], [sflag:s4] =	dma.local [hbm:s3], $0xF7A  }
0x26: {  	[smem:$0x3F99] =	sst s1;
	(tag) =	ssettag s2;
	_ =	strace s9  }
0x27: {  	s1 =	sld [smem:$0x3FA9]  }
0x28: {  	s2 =	sld [smem:$0x3FAA]  }
0x29: {  	s4 =	sld [smem:$0x3FAC]  }
0x2a: {  	p0 =	seq.s32 s5, $0x0;
	s5 =	sld [smem:$0x3FAD]  }
0x2b: {  	s6 =	sld [smem:$0x3FAE]  }
0x2c: {  	s7 =	sld [smem:$0x3FAF]  }
0x2d: {  	s3 =	simm.s32 $0x108;
	s8 =	sld [smem:$0x3FB0]  }
0x2e: {  	s3 =	simm.s32 @!p0 $0x1082;
	s9 =	sld [smem:$0x3FB1]  }
0x2f: {  	lr =	sadd.s32 s0, s3;
	s0 =	sld [smem:$0x3FA8]  }
0x30: {  	s3 =	sld [smem:$0x3FAB]  }
0x31: {  	[smem:$0x3FB4] =	sst s10  }
0x32: {  	s10 =	sld [smem:$0x3FB2];
	_ =	sdelay $0x3  }
0x33: {  	p0 =	seq.s32 s10, $0x1;
	s10 =	sld [smem:$0x3FB4];
	_ =	sdelay $0x3  }
0x34: {  	[smem:$0x3FB4] =	sst s10  }
0x35: {  	s10 =	sld [smem:$0x3FB3];
	_ =	sdelay $0x3  }
0x36: {  	p1 =	seq.s32 s10, $0x1;
	s10 =	sld [smem:$0x3FB4];
	_ =	sdelay $0x3  }
0x37: {  	[smem:$0x3FB4] =	sst s10  }
0x38: {  	s10 =	sld [smem:$0x3FB5]  }
0x39: {  	_ = 	snop;
	(pc) =	sbr.ind lr, $3  }
0x3a: {  	_ = 	snop  }
0x3b: {  	_ = 	snop  }
0x3c: {  	p2 =	seq.s32 s10, $0x1;
	s10 =	sld [smem:$0x3FB4]  }
0x3d: {  	_ =	shalt  }
0x3e: {  	_ =	shalt  }
0x3f: {  	_ =	shalt  }
0x40: {  	_ =	shalt  }
0x41: {  	_ =	shalt  }
0x42: {  	_ =	shalt  }
0x43: {  	_ =	shalt  }
0x44: {  	_ =	shalt  }
0x45: {  	_ =	shalt  }
0x46: {  	_ =	shalt  }
0x47: {  	_ =	shalt  }
0x48: {  	_ =	shalt  }
0x49: {  	_ =	shalt  }
0x4a: {  	_ =	shalt  }
0x4b: {  	_ =	shalt  }
0x4c: {  	_ =	shalt  }
0x4d: {  	_ =	shalt  }
0x4e: {  	_ =	shalt  }
0x4f: {  	_ =	shalt  }
0x50: {  	_ =	shalt  }
0x51: {  	_ =	shalt  }
0x52: {  	_ =	shalt  }
0x53: {  	_ =	shalt  }
0x54: {  	_ =	shalt  }
0x55: {  	_ =	shalt  }
0x56: {  	_ =	shalt  }
0x57: {  	_ =	shalt  }
0x58: {  	_ =	shalt  }
0x59: {  	_ =	shalt  }
0x5a: {  	_ =	shalt  }
0x5b: {  	_ =	shalt  }
0x5c: {  	_ =	shalt  }
0x5d: {  	_ =	shalt  }
0x5e: {  	_ =	shalt  }
0x5f: {  	_ =	shalt  }
0x60: {  	_ =	shalt  }
0x61: {  	_ =	shalt  }
0x62: {  	_ =	shalt  }
0x63: {  	_ =	shalt  }
0x64: {  	_ =	shalt  }
0x65: {  	_ =	shalt  }
0x66: {  	_ =	shalt  }
0x67: {  	_ =	shalt  }
0x68: {  	_ =	shalt  }
0x69: {  	_ =	shalt  }
0x6a: {  	_ =	shalt  }
0x6b: {  	_ =	shalt  }
0x6c: {  	_ =	shalt  }
0x6d: {  	_ =	shalt  }
0x6e: {  	_ =	shalt  }
0x6f: {  	_ =	shalt  }
0x70: {  	_ =	shalt  }
0x71: {  	_ =	shalt  }
0x72: {  	_ =	shalt  }
0x73: {  	_ =	shalt  }
0x74: {  	_ =	shalt  }
0x75: {  	_ =	shalt  }
0x76: {  	_ =	shalt  }
0x77: {  	_ =	shalt  }
0x78: {  	_ =	shalt  }
0x79: {  	_ =	shalt  }
0x7a: {  	_ =	shalt  }
0x7b: {  	_ =	shalt  }
0x7c: {  	_ =	shalt  }
0x7d: {  	_ =	shalt  }
0x7e: {  	_ =	shalt  }
0x7f: {  	_ =	shalt  }
0x80: {  	_ =	shalt  }
0x81: {  	_ =	shalt  }
0x82: {  	_ =	shalt  }
0x83: {  	_ =	shalt  }
0x84: {  	_ =	shalt  }
0x85: {  	_ =	shalt  }
0x86: {  	_ =	shalt  }
0x87: {  	_ =	shalt  }
.Lfunc_end0:
.L_simem_size_0:
called_computation_lowered:
.L_overlay_start_0:
0x88: {  	s2 =	sld [smem:$0x3FD9]  }
0x89: {  	s3 =	sld [smem:$0x3FFE];
	_ =	sdelay $0x1  }
0x8a: {  	s1 =	srdreg.scid  }
0x8b: {  	s0 =	sand.u32 $0x1, s1  }
0x8c: {  	s17 =	sshll.u32 s0, $0xA;
	s2 =	sadd.s32 s3, s2  }
0x8d: {  	s2 =	sadd.s32 s2, s17  }
0x8e: {  	[smem:$0x3FC0] =	sst s2  }
0x8f: {  	_ = 	snop  }
0x90: {  	s18 =	sld [smem:$0x3FC9];
	(tm) =	ssettm $0x1  }
0x91: {  	s19 =	sld [smem:$0x3FFB];
	_ =	sdelay $0x3  }
0x92: {  	_ =	strace s19  }
0x93: {  	s2 =	sld [smem:$0x3FFC];
	_ =	sdelay $0x3  }
0x94: {  	_ =	strace s2  }
0x95: {  	s2 =	sld [smem:$0x3FFD];
	_ =	sdelay $0x3  }
0x96: {  	_ =	strace s2  }
0x97: {  	_ =	strace $0x8FFFFFFF  }
0x98: {  	s20 =	sld [smem:$0x3FDB];
	_ =	sdelay $0x1  }
0x99: {  	s4 =	simm.s32 $_scs_section_size  }
0x9a: {  	s5 =	simm.s32 $_size__tile_overlayer_lowered;
	s6 =	simm.s32 $_tile_overlayer_lowered  }
0x9b: {  	s7 =	simm.s32 $0x1BFF;
	s21 =	sshll.u32 s6, $0x1;
	s4 =	sadd.s32 s4, s20  }
0x9c: {  	s22 =	simm.s32 $0x0;
	s5 =	sshll.u32 s5, $0x1;
	s6 =	sadd.s32 s21, s4  }
0x9d: {  	[timem:s22], [sflag:s7] =	dma.local [hbm:s6], s5  }
0x9e: {  	_ =	swait.ge [sflag:s7], s5  }
0x9f: {  	s5 =	ssub.s32 $0x0, s5;
	[sflag:s7] =	ssyncset.done $0x0  }
0xa0: {  	[sflag:s7] =	ssyncadd.s32 s5;
	_ =	sdelay $0x1  }
0xa1: {  	s23 =	simm.s32 $0x1B8B  }
0xa2: {  	_ =	swait.ge [sflag:s23], $0x1  }
0xa3: {  	[sflag:s23] =	ssyncset.done $0x0  }
0xa4: {  	[sflag:s23] =	ssyncadd.s32 $0xFFFFFFFF  }
0xa5: {  	s5 =	sld [smem:$0x0]  }
0xa6: {  	s6 =	sand.u32 $0xFFFFFFFE, s1  }
0xa7: {  	p0 =	sne.s32 s1, s6  }
0xa8: {  	s6 =	sshll.u32 @p0 s6, $0xE  }
0xa9: {  	s6 =	sadd.s32 @p0 $0x11B8D, s6;
	s7 =	sshll.u32 @p0 s5, $0x11  }
0xaa: {  	s6 =	sor.u32 @p0 s7, s6  }
0xab: {  	[sflag:s6] =	ssyncadd.remote.s32 @p0 $0x1;
	_ =	sdelay $0x1  }
0xac: {  	s6 =	simm.s32 @p0 $0x1B8D  }
0xad: {  	_ =	swait.eq @p0 [sflag:s6], $0x1  }
0xae: {  	[sflag:s6] =	ssyncadd.s32 @p0 $0xFFFFFFFF  }
0xaf: {  	s7 =	sshll.u32 @!p0 s1, $0xE  }
0xb0: {  	s7 =	sor.u32 @!p0 $0x4000, s7;
	s6 =	simm.s32 @!p0 $0x1B8D  }
0xb1: {  	s5 =	sshll.u32 @!p0 s5, $0x11;
	s7 =	sadd.s32 @!p0 $0x11B8D, s7;
	_ =	swait.eq @!p0 [sflag:s6], $0x1  }
0xb2: {  	s5 =	sor.u32 @!p0 s5, s7;
	[sflag:s6] =	ssyncadd.s32 @!p0 $0xFFFFFFFF  }
0xb3: {  	s25 =	simm.s32 $0x1B8E;
	s24 =	sld [smem:$0x3FFE];
	[sflag:s5] =	ssyncadd.remote.s32 @!p0 $0x1  }
0xb4: {  	s26 =	simm.s32 $execute0_lowered;
	[smem:$0x3FD2] =	sst s25  }
0xb5: {  	s6 =	sshll.u32 s26, $0x1;
	_ =	strace $0x80000049;
	[dreg:$0x1] =	wrdreg $0xFFFFFFFF  }
0xb6: {  	s28 =	simm.s32 $_size_execute0_lowered;
	s4 =	sadd.s32 s4, s6;
	[dreg:$0x0] =	wrdreg $0x0  }
0xb7: {  	s6 =	sshll.u32 s28, $0x1;
	[dreg:$0x2] =	wrdreg s4  }
0xb8: {  	[dreg:$0x3] =	wrdreg s6  }
0xb9: {  	[dreg:$0x4] =	wrdreg $0xC0  }
0xba: {  	_ =	task [dreg:s22], $0x5FFFF  }
0xbb: {  	[dreg:$0x1] =	wrdreg $0xFFFFFFFF  }
0xbc: {  	[dreg:$0x0] =	wrdreg $0x60  }
0xbd: {  	[dreg:$0x2] =	wrdreg s24  }
0xbe: {  	[dreg:$0x3] =	wrdreg s18  }
0xbf: {  	[dreg:$0x4] =	wrdreg $0x9  }
0xc0: {  	_ =	task.clear_ibuf [dreg:s22], $0x5FFFF;
	_ =	strace $0x90000049  }
0xc1: {  	s29 =	simm.s32 $0x9;
	_ =	strace $0x8000004B  }
0xc2: {  	_ =	swait.ge [sflag:s29], $0x1  }
0xc3: {  	[sflag:s29] =	ssyncadd.s32 $0xFFFFFFFF  }
0xc4: {  	_ =	strace $0x9000004B  }
0xc5: {  	_ =	sfence  }
0xc6: {  	s30 =	sld [smem:$0x0];
	_ =	sdelay $0x2  }
0xc7: {  	s31 =	sshll.u32 s1, $0xD;
	s1 =	sshrl.u32 s1, $0x2  }
0xc8: {  	s4 =	sand.u32 $0x4000, s31;
	s1 =	sadd.s32 s1, s30  }
0xc9: {  	s0 =	sor.u32 s4, s0;
	s1 =	sshll.u32 s1, $0x11  }
0xca: {  	s0 =	sor.u32 s1, s0  }
0xcb: {  	s0 =	sadd.s32 $0x8F2B, s0  }
0xcc: {  	[sflag:s0] =	ssyncadd.remote.s32 $0x1  }
0xcd: {  	_ =	sfence.sel $0xFFFF  }
0xce: {  	[dreg:$0x0] =	wrdreg $0xFFFFFFFF;
	(pc) =	sbr.abs _section_cstart, $3  }
0xcf: {  	[dreg:$0x1] =	wrdreg $0xFFFFFFFF  }
0xd0: {  	_ =	task.clear_ibuf [dreg:s22], $0x2FFFF;
	_ =	strace $0x9FFFFFFF  }
0xd1: {  	(tm) =	ssettm $0x7FFFFFFF  }
tec
execute0_lowered:
.L_overlay_start_1:
0x0: {  	(tag) =	ssettag $0x1  }
0x1: {  	s4 =	rddreg [dreg:$0x0]  }
0x2: {  	s5 =	rddreg [dreg:$0x1]  }
0x3: {  	s0 =	rddreg [dreg:$0x2]  }
0x4: {  	s3 =	srdreg.scid;
	s2 =	simm.s32 $0x0;
	s1 =	stileid.u32  }
0x5: {  	s9 =	simm.s32 $0x200;
	s10 =	simm.s32 $0x2;
	s11 =	simm.s32 $0x0  }
0x6: {  	s6 =	sand.u32 $0x1, s3;
	[smem:$0x7FF] =	sst s2;
	s30 =	sshll.u32 s1, $0xA  }
0x7: {  	s3 =	sadd.s32 $0xF83600, s4;
	s7 =	sshll.u32 s6, $0x9;
	s6 =	ssub.s32 $0x2, s6  }
0x8: {  	_ =	strace $0x8000004A;
	s7 =	sor.u32 s7, s30;
	s31 =	sshrl.u32 s6, $0x1  }
0x9: {  	s8 =	sshll.u32 s7, $0x4;
	s7 =	sshrl.u32 s7, $0x3;
	s6 =	ssub.s32 s6, s31  }
0xa: {  	s8 =	sadd.s32 s8, s4;
	s4 =	sadd.s32 s5, s7;
	s6 =	smax.u32 s6, $0x1  }
0xb: {  	v0 =	vlaneseq.u32;
	s7 =	simm.s32 $0x3;
	s5 =	sadd.s32 $0x1EC5A00, s8;
	s8 =	simm.s32 $0x1  }
.LBB2_1:
0xc: {  	[tilespmem:s2], [sflag:$0x3] =	stream.linear.gather [hbm4b:s4+s2], $0x200, $0x38;
	[tilespmem:$0x10200] =	vst v63  }
0xd: {  	_ =	swait.ge [sflag:s7], $0x200  }
0xe: {  	[sflag:s7] =	ssyncset.done $0x0  }
0xf: {  	s12 =	sand.u32 $0x1F0, s2;
	[sflag:s7] =	ssyncadd.s32 $0xFFFFFE00  }
0x10: {  	v1 =	vld [tilespmem:s12+$0x0];
	_ =	sdelay $0x1  }
0x11: {  	s29 =	sand.u32 $0xF, s2  }
0x12: {  	v2 =	vmov s29  }
0x13: {  	vm0 =	veq.s32 v2, v0  }
0x14: {  	v1 =	vnsel vm0, $0x0, v1  }
0x15: {  	(xrf0) =	vadd.scan.msk.s32 $0xffff, v1;
	_ =	sdelay $0x5  }
0x16: {  	v1, _, _ =	vpop (xrf0)  }
0x17: {  	(v2sf) =	vpush v1, $0xF;
	_ =	sdelay $0xe  }
0x18: {  	s30 =	spop (v2sf)  }
0x19: {  	s12 =	sshll.u32 s30, $0x4  }
0x1a: {  	s13 =	simm.s32 $0x1;
	s12 =	sand.u32 $0x1FFFFFF0, s12  }
0x1b: {  	s31 =	sand.u32 $0x1F0, s13;
	s12 =	sadd.s32 s3, s12  }
0x1c: {  	[tilespmem:s9], [sflag:$0x1] =	stream.linear.gather [hbm4b:s12+s2], $0x80, $0x38;
	[tilespmem:$0x10200] =	vst v63  }
0x1d: {  	s14 =	simm.s32 $0x2;
	s12 =	simm.s32 $0x200;
	v1 =	vld [tilespmem:s31+$0x0]  }
.LBB2_2:
0x1e: {  	p0 =	sne.s32 s14, $0x1FF  }
0x1f: {  	s15 =	sand.u32 $0xF, s13;
	s13 =	smov.u32 s14  }
0x20: {  	v2 =	vmov s15  }
0x21: {  	vm0 =	veq.s32 v2, v0  }
0x22: {  	v1 =	vnsel vm0, $0x0, v1  }
0x23: {  	(xrf0) =	vadd.scan.msk.s32 $0xffff, v1;
	_ =	sdelay $0x5  }
0x24: {  	v1, _, _ =	vpop (xrf0)  }
0x25: {  	(v2sf) =	vpush v1, $0xF;
	_ =	sdelay $0xe  }
0x26: {  	s15 =	spop (v2sf)  }
.Ltmp0:
0x27: {  	s15 =	sshll.u32 s15, $0x4;
	(pc) =	sbr.rel @p0 .LBB2_2-.Ltmp0, $4  }
0x28: {  	s15 =	sand.u32 $0x1FFFFFF0, s15  }
0x29: {  	s16 =	sand.u32 $0x1F0, s14;
	s12 =	sadd.s32 $0x80, s12;
	s15 =	sadd.s32 s3, s15  }
0x2a: {  	[tilespmem:s12], [sflag:$0x1] =	stream.linear.gather [hbm4b:s15+s2], $0x80, $0x38;
	[tilespmem:$0x10200] =	vst v63  }
0x2b: {  	s14 =	sadd.s32 $0x1, s14;
	v1 =	vld [tilespmem:s16+$0x0]  }
0x2c: {  	_ = 	snop  }
0x2d: {  	s13 =	sand.u32 $0xF, s13  }
0x2e: {  	v2 =	vmov s13  }
0x2f: {  	vm0 =	veq.s32 v2, v0  }
0x30: {  	v1 =	vnsel vm0, $0x0, v1  }
0x31: {  	(xrf0) =	vadd.scan.msk.s32 $0xffff, v1;
	_ =	sdelay $0x5  }
0x32: {  	v1, _, _ =	vpop (xrf0)  }
0x33: {  	(v2sf) =	vpush v1, $0xF;
	_ =	sdelay $0xe  }
0x34: {  	s31 =	spop (v2sf)  }
0x35: {  	s13 =	sshll.u32 s31, $0x4  }
0x36: {  	s13 =	sand.u32 $0x1FFFFFF0, s13  }
0x37: {  	s12 =	sadd.s32 $0x80, s12;
	s13 =	sadd.s32 s3, s13  }
0x38: {  	[tilespmem:s12], [sflag:$0x1] =	stream.linear.gather [hbm4b:s13+s2], $0x80, $0x38;
	[tilespmem:$0x10200] =	vst v63  }
0x39: {  	s11 =	sadd.s32 $0x1, s11;
	_ =	swait.ge [sflag:s8], $0x10000  }
0x3a: {  	p0 =	sne.s32 s11, s6;
	[sflag:s8] =	ssyncset.done $0x0  }
.Ltmp1:
0x3b: {  	[sflag:s8] =	ssyncadd.s32 $0xFFFF0000;
	(pc) =	sbr.rel @p0 .LBB2_1-.Ltmp1, $4  }
0x3c: {  	[hbm4b:s5+s2] =	stream.linear.scatter [tilespmem:s9], [sflag:$0x2], $0x10000, $0x38;
	[tilespmem:$0x10200] =	vst v63  }
0x3d: {  	_ =	swait.ge [sflag:s10], $0x10000  }
0x3e: {  	[sflag:s10] =	ssyncset.done $0x0  }
0x3f: {  	[sflag:s10] =	ssyncadd.s32 $0xFFFF0000  }
0x40: {  	_ =	sfence.sel $0x180000  }
0x41: {  	[bflag:$0x0] =	sbarrier.arrive $0xFFFF  }
0x42: {  	p0 =	sne.s32 s1, $0x0;
	_ =	strace $0x9000004A  }
0x43: {  	s0 =	sadd.s32 @!p0 $0x100000, s0;
	[bflag:$0x2] =	sbarrier.arrive $0xFFFF  }
0x44: {  	[sflag:s0] =	ssyncadd.tile.s32 @!p0 $0x1;
	_ =	shalt  }
.Lfunc_end2:
_tile_overlayer_lowered:
.L_overlay_start_2:
0x45: {  	(tag) =	ssettag $0x2  }
0x46: {  	s0 =	rddreg [dreg:$0x0];
	s2 =	stileid.u32  }
0x47: {  	s1 =	rddreg [dreg:$0x1];
	p0 =	sne.s32 s2, $0x0  }
0x48: {  	s3 =	rddreg [dreg:$0x2];
	[bflag:$0x3] =	sbarrier.arrive $0xFFFF;
	s2 =	simm.s32 @!p0 $0x1C03  }
0x49: {  	[timem:s3], [sflag:s2] =	dma.local @!p0 [hbm:s0], s1  }
0x4a: {  	s0 =	simm.s32 @!p0 $0x3  }
0x4b: {  	_ =	swait.ge @!p0 [sflag:s0], s1  }
0x4c: {  	s1 =	ssub.s32 @!p0 $0x0, s1;
	[sflag:s0] =	ssyncset.done @!p0 $0x0  }
0x4d: {  	[sflag:s0] =	ssyncadd.s32 @!p0 s1  }
0x4e: {  	[bflag:$0x3] =	sbarrier.arrive $0xFFFF  }
0x4f: {  	_ =	shalt  }

// kernel: kernel.9.cloned.1.call-start
scs
__scs_entry_jumppad:
0x0: {  	(pc) =	sbr.rel $0x88, $3  }
0x1: {  	(tag) =	ssettag $0x0;
	lr =	simm.s32 $0x1  }
0x2: {  	[smem:$0x3F99] =	sst lr;
	_ =	strace $0xD0000000  }
0x3: {  	_ = 	snop  }
0x4: {  	_ = 	snop  }
0x5: {  	_ = 	snop  }
0x6: {  	_ = 	snop  }
0x7: {  	_ = 	snop  }
__scs_overlays_trampoline_lowered:
0x8: {  	[smem:$0x3FA8] =	sst s0  }
0x9: {  	[smem:$0x3FA9] =	sst s1  }
0xa: {  	[smem:$0x3FAA] =	sst s2  }
0xb: {  	[smem:$0x3FAB] =	sst s3  }
0xc: {  	[smem:$0x3FAC] =	sst s4  }
0xd: {  	[smem:$0x3FAD] =	sst s5  }
0xe: {  	[smem:$0x3FAE] =	sst s6  }
0xf: {  	[smem:$0x3FAF] =	sst s7  }
0x10: {  	[smem:$0x3FB0] =	sst s8  }
0x11: {  	[smem:$0x3FB1] =	sst s9;
	s0 =	simm.s32 @!p0 $0x0  }
0x12: {  	s1 =	sld [smem:$0x3F97];
	s0 =	simm.s32 @p0 $0x1  }
0x13: {  	[smem:$0x3FB2] =	sst s0;
	s0 =	simm.s32 @!p1 $0x0  }
0x14: {  	s2 =	sld [smem:$0x3F96];
	s0 =	simm.s32 @p1 $0x1  }
0x15: {  	[smem:$0x3FB3] =	sst s0;
	s0 =	simm.s32 @!p2 $0x0  }
0x16: {  	s3 =	sld [smem:$0x3FDB];
	s0 =	simm.s32 @p2 $0x1  }
0x17: {  	s4 =	simm.s32 $0x1BF5;
	[smem:$0x3FB5] =	sst s0  }
0x18: {  	s0 =	sld [smem:$0x3F98];
	_ =	swait.ge [sflag:s4], $0x0  }
0x19: {  	s7 =	sld [smem:$0x3F99]  }
0x1a: {  	s8 =	sadd.s32 $0xFFFFE003, lr  }
0x1b: {  	s9 =	sadd.s32 $0xFFFFFEF7, lr;
	s5 =	simm.s32 $0xFFFFFFFF;
	p2 =	slt.u32 s8, $0xFFFFF086  }
0x1c: {  	p1 =	slt.u32 s9, $0xF7A;
	s5 =	simm.s32 @!p2 $0x0  }
0x1d: {  	s5 =	simm.s32 @p1 $0x1;
	p0 =	seq.s32 s7, s2  }
0x1e: {  	s7 =	smul.u32 @!p0 $0xF7A, s2;
	p2 =	seq.s32 @!p0 s5, $0x0  }
0x1f: {  	s9 =	smul.u32 $0xF7A, s1;
	s8 =	simm.s32 @!p0 $0x1BF5;
	p2 =	por !p2, p0  }
0x20: {  	[sflag:s8] =	ssyncset.s32 @!p0 $0xFFFFF086;
	s6 =	sadd.s32 @!p0 s3, s7;
	s7 =	simm.s32 @!p0 $0x108  }
0x21: {  	s3 =	sadd.s32 s3, s9;
	s6 =	sadd.s32 @!p0 $0x88, s6;
	s7 =	simm.s32 @p2 $0x1082  }
0x22: {  	[simem:s7], [sflag:s8] =	dma.local @!p0 [hbm:s6], $0xF7A  }
0x23: {  	s9 =	sor.u32 $0xD0000000, s2;
	s6 =	simm.s32 $0x108;
	_ =	swait.ge @!p0 [sflag:s8], $0x0  }
0x24: {  	s3 =	sadd.s32 $0x88, s3;
	s6 =	simm.s32 @!p1 $0x1082;
	[sflag:s4] =	ssyncset.s32 $0xFFFFF086  }
0x25: {  	[simem:s6], [sflag:s4] =	dma.local [hbm:s3], $0xF7A  }
0x26: {  	[smem:$0x3F99] =	sst s1;
	(tag) =	ssettag s2;
	_ =	strace s9  }
0x27: {  	s1 =	sld [smem:$0x3FA9]  }
0x28: {  	s2 =	sld [smem:$0x3FAA]  }
0x29: {  	s4 =	sld [smem:$0x3FAC]  }
0x2a: {  	p0 =	seq.s32 s5, $0x0;
	s5 =	sld [smem:$0x3FAD]  }
0x2b: {  	s6 =	sld [smem:$0x3FAE]  }
0x2c: {  	s7 =	sld [smem:$0x3FAF]  }
0x2d: {  	s3 =	simm.s32 $0x108;
	s8 =	sld [smem:$0x3FB0]  }
0x2e: {  	s3 =	simm.s32 @!p0 $0x1082;
	s9 =	sld [smem:$0x3FB1]  }
0x2f: {  	lr =	sadd.s32 s0, s3;
	s0 =	sld [smem:$0x3FA8]  }
0x30: {  	s3 =	sld [smem:$0x3FAB]  }
0x31: {  	[smem:$0x3FB4] =	sst s10  }
0x32: {  	s10 =	sld [smem:$0x3FB2];
	_ =	sdelay $0x3  }
0x33: {  	p0 =	seq.s32 s10, $0x1;
	s10 =	sld [smem:$0x3FB4];
	_ =	sdelay $0x3  }
0x34: {  	[smem:$0x3FB4] =	sst s10  }
0x35: {  	s10 =	sld [smem:$0x3FB3];
	_ =	sdelay $0x3  }
0x36: {  	p1 =	seq.s32 s10, $0x1;
	s10 =	sld [smem:$0x3FB4];
	_ =	sdelay $0x3  }
0x37: {  	[smem:$0x3FB4] =	sst s10  }
0x38: {  	s10 =	sld [smem:$0x3FB5]  }
0x39: {  	_ = 	snop;
	(pc) =	sbr.ind lr, $3  }
0x3a: {  	_ = 	snop  }
0x3b: {  	_ = 	snop  }
0x3c: {  	p2 =	seq.s32 s10, $0x1;
	s10 =	sld [smem:$0x3FB4]  }
0x3d: {  	_ =	shalt  }
0x3e: {  	_ =	shalt  }
0x3f: {  	_ =	shalt  }
0x40: {  	_ =	shalt  }
0x41: {  	_ =	shalt  }
0x42: {  	_ =	shalt  }
0x43: {  	_ =	shalt  }
0x44: {  	_ =	shalt  }
0x45: {  	_ =	shalt  }
0x46: {  	_ =	shalt  }
0x47: {  	_ =	shalt  }
0x48: {  	_ =	shalt  }
0x49: {  	_ =	shalt  }
0x4a: {  	_ =	shalt  }
0x4b: {  	_ =	shalt  }
0x4c: {  	_ =	shalt  }
0x4d: {  	_ =	shalt  }
0x4e: {  	_ =	shalt  }
0x4f: {  	_ =	shalt  }
0x50: {  	_ =	shalt  }
0x51: {  	_ =	shalt  }
0x52: {  	_ =	shalt  }
0x53: {  	_ =	shalt  }
0x54: {  	_ =	shalt  }
0x55: {  	_ =	shalt  }
0x56: {  	_ =	shalt  }
0x57: {  	_ =	shalt  }
0x58: {  	_ =	shalt  }
0x59: {  	_ =	shalt  }
0x5a: {  	_ =	shalt  }
0x5b: {  	_ =	shalt  }
0x5c: {  	_ =	shalt  }
0x5d: {  	_ =	shalt  }
0x5e: {  	_ =	shalt  }
0x5f: {  	_ =	shalt  }
0x60: {  	_ =	shalt  }
0x61: {  	_ =	shalt  }
0x62: {  	_ =	shalt  }
0x63: {  	_ =	shalt  }
0x64: {  	_ =	shalt  }
0x65: {  	_ =	shalt  }
0x66: {  	_ =	shalt  }
0x67: {  	_ =	shalt  }
0x68: {  	_ =	shalt  }
0x69: {  	_ =	shalt  }
0x6a: {  	_ =	shalt  }
0x6b: {  	_ =	shalt  }
0x6c: {  	_ =	shalt  }
0x6d: {  	_ =	shalt  }
0x6e: {  	_ =	shalt  }
0x6f: {  	_ =	shalt  }
0x70: {  	_ =	shalt  }
0x71: {  	_ =	shalt  }
0x72: {  	_ =	shalt  }
0x73: {  	_ =	shalt  }
0x74: {  	_ =	shalt  }
0x75: {  	_ =	shalt  }
0x76: {  	_ =	shalt  }
0x77: {  	_ =	shalt  }
0x78: {  	_ =	shalt  }
0x79: {  	_ =	shalt  }
0x7a: {  	_ =	shalt  }
0x7b: {  	_ =	shalt  }
0x7c: {  	_ =	shalt  }
0x7d: {  	_ =	shalt  }
0x7e: {  	_ =	shalt  }
0x7f: {  	_ =	shalt  }
0x80: {  	_ =	shalt  }
0x81: {  	_ =	shalt  }
0x82: {  	_ =	shalt  }
0x83: {  	_ =	shalt  }
0x84: {  	_ =	shalt  }
0x85: {  	_ =	shalt  }
0x86: {  	_ =	shalt  }
0x87: {  	_ =	shalt  }
.Lfunc_end0:
.L_simem_size_0:
called_computation.1_lowered:
.L_overlay_start_0:
0x88: {  	s2 =	sld [smem:$0x3FD9]  }
0x89: {  	s3 =	sld [smem:$0x3FFE];
	_ =	sdelay $0x1  }
0x8a: {  	s1 =	srdreg.scid  }
0x8b: {  	s0 =	sand.u32 $0x1, s1  }
0x8c: {  	s17 =	sshll.u32 s0, $0xA;
	s2 =	sadd.s32 s3, s2  }
0x8d: {  	s2 =	sadd.s32 s2, s17  }
0x8e: {  	[smem:$0x3FC0] =	sst s2  }
0x8f: {  	_ = 	snop  }
0x90: {  	s18 =	sld [smem:$0x3FC9];
	(tm) =	ssettm $0x1  }
0x91: {  	s19 =	sld [smem:$0x3FFB];
	_ =	sdelay $0x3  }
0x92: {  	_ =	strace s19  }
0x93: {  	s2 =	sld [smem:$0x3FFC];
	_ =	sdelay $0x3  }
0x94: {  	_ =	strace s2  }
0x95: {  	s2 =	sld [smem:$0x3FFD];
	_ =	sdelay $0x3  }
0x96: {  	_ =	strace s2  }
0x97: {  	_ =	strace $0x8FFFFFFF  }
0x98: {  	s20 =	sld [smem:$0x3FDB];
	_ =	sdelay $0x1  }
0x99: {  	s4 =	simm.s32 $_scs_section_size  }
0x9a: {  	s5 =	simm.s32 $_size__tile_overlayer_lowered;
	s6 =	simm.s32 $_tile_overlayer_lowered  }
0x9b: {  	s7 =	simm.s32 $0x1BFF;
	s21 =	sshll.u32 s6, $0x1;
	s4 =	sadd.s32 s4, s20  }
0x9c: {  	s22 =	simm.s32 $0x0;
	s5 =	sshll.u32 s5, $0x1;
	s6 =	sadd.s32 s21, s4  }
0x9d: {  	[timem:s22], [sflag:s7] =	dma.local [hbm:s6], s5  }
0x9e: {  	_ =	swait.ge [sflag:s7], s5  }
0x9f: {  	s5 =	ssub.s32 $0x0, s5;
	[sflag:s7] =	ssyncset.done $0x0  }
0xa0: {  	[sflag:s7] =	ssyncadd.s32 s5;
	_ =	sdelay $0x1  }
0xa1: {  	s23 =	simm.s32 $0x1B8B  }
0xa2: {  	_ =	swait.ge [sflag:s23], $0x1  }
0xa3: {  	[sflag:s23] =	ssyncset.done $0x0  }
0xa4: {  	[sflag:s23] =	ssyncadd.s32 $0xFFFFFFFF  }
0xa5: {  	s5 =	sld [smem:$0x0]  }
0xa6: {  	s6 =	sand.u32 $0xFFFFFFFE, s1  }
0xa7: {  	p0 =	sne.s32 s1, s6  }
0xa8: {  	s6 =	sshll.u32 @p0 s6, $0xE  }
0xa9: {  	s6 =	sadd.s32 @p0 $0x11B8D, s6;
	s7 =	sshll.u32 @p0 s5, $0x11  }
0xaa: {  	s6 =	sor.u32 @p0 s7, s6  }
0xab: {  	[sflag:s6] =	ssyncadd.remote.s32 @p0 $0x1;
	_ =	sdelay $0x1  }
0xac: {  	s6 =	simm.s32 @p0 $0x1B8D  }
0xad: {  	_ =	swait.eq @p0 [sflag:s6], $0x1  }
0xae: {  	[sflag:s6] =	ssyncadd.s32 @p0 $0xFFFFFFFF  }
0xaf: {  	s7 =	sshll.u32 @!p0 s1, $0xE  }
0xb0: {  	s7 =	sor.u32 @!p0 $0x4000, s7;
	s6 =	simm.s32 @!p0 $0x1B8D  }
0xb1: {  	s5 =	sshll.u32 @!p0 s5, $0x11;
	s7 =	sadd.s32 @!p0 $0x11B8D, s7;
	_ =	swait.eq @!p0 [sflag:s6], $0x1  }
0xb2: {  	s5 =	sor.u32 @!p0 s5, s7;
	[sflag:s6] =	ssyncadd.s32 @!p0 $0xFFFFFFFF  }
0xb3: {  	s25 =	simm.s32 $0x1B8E;
	s24 =	sld [smem:$0x3FFE];
	[sflag:s5] =	ssyncadd.remote.s32 @!p0 $0x1  }
0xb4: {  	s26 =	simm.s32 $execute0_lowered;
	[smem:$0x3FD2] =	sst s25  }
0xb5: {  	s6 =	sshll.u32 s26, $0x1;
	_ =	strace $0x8000004C;
	[dreg:$0x1] =	wrdreg $0xFFFFFFFF  }
0xb6: {  	s28 =	simm.s32 $_size_execute0_lowered;
	s4 =	sadd.s32 s4, s6;
	[dreg:$0x0] =	wrdreg $0x0  }
0xb7: {  	s6 =	sshll.u32 s28, $0x1;
	[dreg:$0x2] =	wrdreg s4  }
0xb8: {  	[dreg:$0x3] =	wrdreg s6  }
0xb9: {  	[dreg:$0x4] =	wrdreg $0xC0  }
0xba: {  	_ =	task [dreg:s22], $0x5FFFF  }
0xbb: {  	[dreg:$0x1] =	wrdreg $0xFFFFFFFF  }
0xbc: {  	[dreg:$0x0] =	wrdreg $0x60  }
0xbd: {  	[dreg:$0x2] =	wrdreg s24  }
0xbe: {  	[dreg:$0x3] =	wrdreg s18  }
0xbf: {  	[dreg:$0x4] =	wrdreg $0xA  }
0xc0: {  	_ =	task.clear_ibuf [dreg:s22], $0x5FFFF;
	_ =	strace $0x9000004C  }
0xc1: {  	s29 =	simm.s32 $0xA;
	_ =	strace $0x8000004E  }
0xc2: {  	_ =	swait.ge [sflag:s29], $0x1  }
0xc3: {  	[sflag:s29] =	ssyncadd.s32 $0xFFFFFFFF  }
0xc4: {  	_ =	strace $0x9000004E  }
0xc5: {  	_ =	sfence  }
0xc6: {  	s30 =	sld [smem:$0x0];
	_ =	sdelay $0x2  }
0xc7: {  	s31 =	sshll.u32 s1, $0xD;
	s1 =	sshrl.u32 s1, $0x2  }
0xc8: {  	s4 =	sand.u32 $0x4000, s31;
	s1 =	sadd.s32 s1, s30  }
0xc9: {  	s0 =	sor.u32 s4, s0;
	s1 =	sshll.u32 s1, $0x11  }
0xca: {  	s0 =	sor.u32 s1, s0  }
0xcb: {  	s0 =	sadd.s32 $0x8F2B, s0  }
0xcc: {  	[sflag:s0] =	ssyncadd.remote.s32 $0x1  }
0xcd: {  	_ =	sfence.sel $0xFFFF  }
0xce: {  	[dreg:$0x0] =	wrdreg $0xFFFFFFFF;
	(pc) =	sbr.abs _section_cstart, $3  }
0xcf: {  	[dreg:$0x1] =	wrdreg $0xFFFFFFFF  }
0xd0: {  	_ =	task.clear_ibuf [dreg:s22], $0x2FFFF;
	_ =	strace $0x9FFFFFFF  }
0xd1: {  	(tm) =	ssettm $0x7FFFFFFF  }
tec
execute0_lowered:
.L_overlay_start_1:
0x0: {  	(tag) =	ssettag $0x1  }
0x1: {  	s4 =	rddreg [dreg:$0x0]  }
0x2: {  	s5 =	rddreg [dreg:$0x1]  }
0x3: {  	s0 =	rddreg [dreg:$0x2]  }
0x4: {  	s3 =	srdreg.scid;
	s2 =	simm.s32 $0x0;
	s1 =	stileid.u32  }
0x5: {  	s9 =	simm.s32 $0x200;
	s10 =	simm.s32 $0x2;
	s11 =	simm.s32 $0x0  }
0x6: {  	s6 =	sand.u32 $0x1, s3;
	[smem:$0x7FF] =	sst s2;
	s30 =	sshll.u32 s1, $0xA  }
0x7: {  	s3 =	sadd.s32 $0x1F05A00, s4;
	s7 =	sshll.u32 s6, $0x9;
	s6 =	ssub.s32 $0x2, s6  }
0x8: {  	_ =	strace $0x8000004D;
	s7 =	sor.u32 s7, s30;
	s31 =	sshrl.u32 s6, $0x1  }
0x9: {  	s8 =	sshll.u32 s7, $0x4;
	s7 =	sshrl.u32 s7, $0x3;
	s6 =	ssub.s32 s6, s31  }
0xa: {  	s8 =	sadd.s32 s8, s4;
	s4 =	sadd.s32 s5, s7;
	s6 =	smax.u32 s6, $0x1  }
0xb: {  	v0 =	vlaneseq.u32;
	s7 =	simm.s32 $0x3;
	s5 =	sadd.s32 $0x2E47E00, s8;
	s8 =	simm.s32 $0x1  }
.LBB2_1:
0xc: {  	[tilespmem:s2], [sflag:$0x3] =	stream.linear.gather [hbm4b:s4+s2], $0x200, $0x38;
	[tilespmem:$0x10200] =	vst v63  }
0xd: {  	_ =	swait.ge [sflag:s7], $0x200  }
0xe: {  	[sflag:s7] =	ssyncset.done $0x0  }
0xf: {  	s12 =	sand.u32 $0x1F0, s2;
	[sflag:s7] =	ssyncadd.s32 $0xFFFFFE00  }
0x10: {  	v1 =	vld [tilespmem:s12+$0x0];
	_ =	sdelay $0x1  }
0x11: {  	s29 =	sand.u32 $0xF, s2  }
0x12: {  	v2 =	vmov s29  }
0x13: {  	vm0 =	veq.s32 v2, v0  }
0x14: {  	v1 =	vnsel vm0, $0x0, v1  }
0x15: {  	(xrf0) =	vadd.scan.msk.s32 $0xffff, v1;
	_ =	sdelay $0x5  }
0x16: {  	v1, _, _ =	vpop (xrf0)  }
0x17: {  	(v2sf) =	vpush v1, $0xF;
	_ =	sdelay $0xe  }
0x18: {  	s30 =	spop (v2sf)  }
0x19: {  	s12 =	sshll.u32 s30, $0x4  }
0x1a: {  	s13 =	simm.s32 $0x1;
	s12 =	sand.u32 $0x1FFFFFF0, s12  }
0x1b: {  	s31 =	sand.u32 $0x1F0, s13;
	s12 =	sadd.s32 s3, s12  }
0x1c: {  	[tilespmem:s9], [sflag:$0x1] =	stream.linear.gather [hbm4b:s12+s2], $0x80, $0x38;
	[tilespmem:$0x10200] =	vst v63  }
0x1d: {  	s14 =	simm.s32 $0x2;
	s12 =	simm.s32 $0x200;
	v1 =	vld [tilespmem:s31+$0x0]  }
.LBB2_2:
0x1e: {  	p0 =	sne.s32 s14, $0x1FF  }
0x1f: {  	s15 =	sand.u32 $0xF, s13;
	s13 =	smov.u32 s14  }
0x20: {  	v2 =	vmov s15  }
0x21: {  	vm0 =	veq.s32 v2, v0  }
0x22: {  	v1 =	vnsel vm0, $0x0, v1  }
0x23: {  	(xrf0) =	vadd.scan.msk.s32 $0xffff, v1;
	_ =	sdelay $0x5  }
0x24: {  	v1, _, _ =	vpop (xrf0)  }
0x25: {  	(v2sf) =	vpush v1, $0xF;
	_ =	sdelay $0xe  }
0x26: {  	s15 =	spop (v2sf)  }
.Ltmp0:
0x27: {  	s15 =	sshll.u32 s15, $0x4;
	(pc) =	sbr.rel @p0 .LBB2_2-.Ltmp0, $4  }
0x28: {  	s15 =	sand.u32 $0x1FFFFFF0, s15  }
0x29: {  	s16 =	sand.u32 $0x1F0, s14;
	s12 =	sadd.s32 $0x80, s12;
	s15 =	sadd.s32 s3, s15  }
0x2a: {  	[tilespmem:s12], [sflag:$0x1] =	stream.linear.gather [hbm4b:s15+s2], $0x80, $0x38;
	[tilespmem:$0x10200] =	vst v63  }
0x2b: {  	s14 =	sadd.s32 $0x1, s14;
	v1 =	vld [tilespmem:s16+$0x0]  }
0x2c: {  	_ = 	snop  }
0x2d: {  	s13 =	sand.u32 $0xF, s13  }
0x2e: {  	v2 =	vmov s13  }
0x2f: {  	vm0 =	veq.s32 v2, v0  }
0x30: {  	v1 =	vnsel vm0, $0x0, v1  }
0x31: {  	(xrf0) =	vadd.scan.msk.s32 $0xffff, v1;
	_ =	sdelay $0x5  }
0x32: {  	v1, _, _ =	vpop (xrf0)  }
0x33: {  	(v2sf) =	vpush v1, $0xF;
	_ =	sdelay $0xe  }
0x34: {  	s31 =	spop (v2sf)  }
0x35: {  	s13 =	sshll.u32 s31, $0x4  }
0x36: {  	s13 =	sand.u32 $0x1FFFFFF0, s13  }
0x37: {  	s12 =	sadd.s32 $0x80, s12;
	s13 =	sadd.s32 s3, s13  }
0x38: {  	[tilespmem:s12], [sflag:$0x1] =	stream.linear.gather [hbm4b:s13+s2], $0x80, $0x38;
	[tilespmem:$0x10200] =	vst v63  }
0x39: {  	s11 =	sadd.s32 $0x1, s11;
	_ =	swait.ge [sflag:s8], $0x10000  }
0x3a: {  	p0 =	sne.s32 s11, s6;
	[sflag:s8] =	ssyncset.done $0x0  }
.Ltmp1:
0x3b: {  	[sflag:s8] =	ssyncadd.s32 $0xFFFF0000;
	(pc) =	sbr.rel @p0 .LBB2_1-.Ltmp1, $4  }
0x3c: {  	[hbm4b:s5+s2] =	stream.linear.scatter [tilespmem:s9], [sflag:$0x2], $0x10000, $0x38;
	[tilespmem:$0x10200] =	vst v63  }
0x3d: {  	_ =	swait.ge [sflag:s10], $0x10000  }
0x3e: {  	[sflag:s10] =	ssyncset.done $0x0  }
0x3f: {  	[sflag:s10] =	ssyncadd.s32 $0xFFFF0000  }
0x40: {  	_ =	sfence.sel $0x180000  }
0x41: {  	[bflag:$0x0] =	sbarrier.arrive $0xFFFF  }
0x42: {  	p0 =	sne.s32 s1, $0x0;
	_ =	strace $0x9000004D  }
0x43: {  	s0 =	sadd.s32 @!p0 $0x100000, s0;
	[bflag:$0x2] =	sbarrier.arrive $0xFFFF  }
0x44: {  	[sflag:s0] =	ssyncadd.tile.s32 @!p0 $0x1;
	_ =	shalt  }
.Lfunc_end2:
_tile_overlayer_lowered:
.L_overlay_start_2:
0x45: {  	(tag) =	ssettag $0x2  }
0x46: {  	s0 =	rddreg [dreg:$0x0];
	s2 =	stileid.u32  }
0x47: {  	s1 =	rddreg [dreg:$0x1];
	p0 =	sne.s32 s2, $0x0  }
0x48: {  	s3 =	rddreg [dreg:$0x2];
	[bflag:$0x3] =	sbarrier.arrive $0xFFFF;
	s2 =	simm.s32 @!p0 $0x1C03  }
0x49: {  	[timem:s3], [sflag:s2] =	dma.local @!p0 [hbm:s0], s1  }
0x4a: {  	s0 =	simm.s32 @!p0 $0x3  }
0x4b: {  	_ =	swait.ge @!p0 [sflag:s0], s1  }
0x4c: {  	s1 =	ssub.s32 @!p0 $0x0, s1;
	[sflag:s0] =	ssyncset.done @!p0 $0x0  }
0x4d: {  	[sflag:s0] =	ssyncadd.s32 @!p0 s1  }
0x4e: {  	[bflag:$0x3] =	sbarrier.arrive $0xFFFF  }
0x4f: {  	_ =	shalt  }

</sc_bundles>
